<compile_context>
chip_gen: v7x
topology: tpu7x:2x2x1
jax: 0.10.2.dev20260603
libtpu: 0.0.44.dev20260713+nightly
codegen_flags: <defaults>
</compile_context>

<pallas_src>
import functools

import jax
import jax.numpy as jnp
from jax import lax
from jax.experimental import pallas as pl
from jax.experimental.pallas import tpu as pltpu
from jax.experimental.pallas import tpu_sc as plsc
from jax.experimental.layout import Layout, with_layout_constraint

EPS = 0.01
NC, NS = 2, 16
NW = NC * NS
IC = 128

_SC_MESH = dict(core_axis_name="c", subcore_axis_name="s",
                num_cores=NC, num_subcores=NS)


def _worker_id():
    return lax.axis_index("s") * NC + lax.axis_index("c")


def _chain_body(x_ref, w_ref, noise_ref, gen_ref):
    blk = x_ref.shape[0]
    d = x_ref.shape[1]
    eye = (lax.broadcasted_iota(jnp.int32, (d, d), 0)
           == lax.broadcasted_iota(jnp.int32, (d, d), 1)).astype(jnp.float32)
    w = w_ref[...]
    a = lax.dot_general(w, w, (((0,), (0,)), ((), ())),
                        preferred_element_type=jnp.float32)
    xt = lax.dot_general(eye, x_ref[...], (((0,), (1,)), ((), ())),
                         preferred_element_type=jnp.float32,
                         precision=lax.Precision.HIGHEST)
    c = (2.0 * EPS) ** 0.5
    for t in range(noise_ref.shape[0]):
        axt = lax.dot_general(a, xt, (((1,), (0,)), ((), ())),
                              preferred_element_type=jnp.float32)
        xt = (1.0 - EPS) * xt - EPS * axt + c * noise_ref[t]
    gen_ref[...] = lax.dot_general(xt, eye, (((0,), (0,)), ((), ())),
                                   preferred_element_type=jnp.float32,
                                   precision=lax.Precision.HIGHEST)


def _make_sc_gather(M, D, B):
    kc = B // NW // IC
    bw = kc * IC
    mesh = plsc.VectorSubcoreMesh(**_SC_MESH)

    @functools.partial(
        pl.kernel, mesh=mesh,
        out_type=jax.ShapeDtypeStruct((B, D), jnp.float32),
        compiler_params=pltpu.CompilerParams(use_tc_tiling_on_sc=False),
        scratch_types=[
            pltpu.VMEM((kc, IC), jnp.int32),
            pltpu.VMEM((bw, D), jnp.float32),
            pltpu.SemaphoreType.DMA,
        ],
    )
    def gather_k(buf_hbm, idx_hbm, x_hbm, idx_v, rows_v, sem):
        wid = _worker_id()
        pltpu.sync_copy(idx_hbm.at[pl.ds(wid * kc, kc)], idx_v)
        handles = [
            pltpu.async_copy(buf_hbm.at[idx_v.at[j]],
                             rows_v.at[pl.ds(j * IC, IC)], sem)
            for j in range(kc)
        ]
        for h in handles:
            h.wait()
        pltpu.sync_copy(rows_v, x_hbm.at[pl.ds(wid * bw, bw)])

    return gather_k


def _make_sc_scatter(M, D, B):
    kc = B // NW // IC
    bw = kc * IC
    mesh = plsc.VectorSubcoreMesh(**_SC_MESH)

    @functools.partial(
        pl.kernel, mesh=mesh,
        out_type=(),
        compiler_params=pltpu.CompilerParams(use_tc_tiling_on_sc=False),
        scratch_types=[
            pltpu.VMEM((kc, IC), jnp.int32),
            pltpu.VMEM((bw, D), jnp.float32),
            pltpu.SemaphoreType.DMA,
        ],
    )
    def scatter_k(out_hbm, gen_hbm, idx_hbm, idx_v, rows_v, sem):
        wid = _worker_id()
        pltpu.sync_copy(idx_hbm.at[pl.ds(wid * kc, kc)], idx_v)
        pltpu.sync_copy(gen_hbm.at[pl.ds(wid * bw, bw)], rows_v)
        handles = [
            pltpu.async_copy(rows_v.at[pl.ds(j * IC, IC)],
                             out_hbm.at[idx_v.at[j]], sem)
            for j in range(kc)
        ]
        for h in handles:
            h.wait()

    return scatter_k


def kernel(buffer, idx, W, noise):
    T, B, D = noise.shape
    M = buffer.shape[0]
    idx2d = idx.reshape(B // IC, IC)

    rbuf = with_layout_constraint(
        buffer, Layout(major_to_minor=(0, 1), tiling=((8,),)))
    out_ref = jax.new_ref(rbuf)

    x = _make_sc_gather(M, D, B)(out_ref, idx2d)

    noiseT = noise.transpose(0, 2, 1)
    blk = 2048
    gen = pl.pallas_call(
        _chain_body,
        grid=(B // blk,),
        in_specs=[
            pl.BlockSpec((blk, D), lambda i: (i, 0)),
            pl.BlockSpec((D, D), lambda i: (0, 0)),
            pl.BlockSpec((T, D, blk), lambda i: (0, 0, i)),
        ],
        out_specs=pl.BlockSpec((blk, D), lambda i: (i, 0)),
        out_shape=jax.ShapeDtypeStruct((B, D), jnp.float32),
    )(x, W, noiseT)

    _make_sc_scatter(M, D, B)(out_ref, gen, idx2d)
    return jax.freeze(out_ref)

# --- scband reference (transcript-rebuilt; emitter-appended) ---
"""Pipeline reference for scband-contrastive-divergence-sampler-83657372991502 (READ-ONLY COPY).

The authoritative reference and input builder live on the scoring server;
editing this copy changes nothing except your own understanding.
"""

import jax, jax.numpy as jnp
import numpy as np

M, D, B, T = 1000000, 64, 16384, 10
EPS = 0.01


def setup_inputs(seed: int = 0) -> dict:
    key = jax.random.key(seed)
    k1, k2, k3, k4 = jax.random.split(key, 4)
    buffer = jax.random.normal(k1, (M, D), dtype=jnp.float32)
    idx = jax.random.randint(k2, (B,), 0, M, dtype=jnp.int32)
    W = jax.random.normal(k3, (D, D), dtype=jnp.float32) * 0.05
    noise = jax.random.normal(k4, (T, B, D), dtype=jnp.float32)
    return {"buffer": buffer, "idx": idx, "W": W, "noise": noise}


def reference(buffer, idx, W, noise):
    # sample_buffer: gather prior samples from the replay buffer at multinomial indices
    x = jnp.take(buffer, idx, axis=0)

    # sampler.sample(prior_samples, T=10): short Langevin chain under a learned
    # quadratic potential 0.5*||x W^T||^2 plus the standard normal base energy.
    def step(x, n):
        grad_pot = (x @ W.T) @ W
        x_new = x - EPS * (x + grad_pot) + jnp.sqrt(2.0 * EPS) * n
        return x_new, None

    gen, _ = jax.lax.scan(step, x, noise)

    # self.buffer[self.mask_int, :] = gen_data_in  -> scatter-overwrite into the buffer
    new_buffer = buffer.at[idx].set(gen)
    return new_buffer

if __name__ == "__main__":
    import jax
    _d = setup_inputs()
    print(jax.jit(kernel)(*tuple(_d.values())))

</pallas_src>

<mosaic_0001>
#map = affine_map<(d0, d1) -> (0, 0)>
module attributes {stable_mosaic.version = 14 : i64} {
  func.func @new_body(%arg0: i32, %arg1: i32, %arg2: memref<1000000x64xf32, #tpu.memory_space<hbm>>, %arg3: memref<128x128xi32, #tpu.memory_space<hbm>>, %arg4: memref<16384x64xf32, #tpu.memory_space<hbm>>, %arg5: memref<1000000x64xf32, #tpu.memory_space<hbm>>, %arg6: memref<4x128xi32, #tpu.memory_space<vmem>>, %arg7: memref<512x64xf32, #tpu.memory_space<vmem>>, %arg8: memref<!tpu.dma_semaphore, #tpu.memory_space<semaphore_mem>>) attributes {dimension_semantics = [#tpu.dimension_semantics<core_parallel>, #tpu.dimension_semantics<subcore_parallel>], iteration_bounds = array<i64: 2, 16>, scalar_prefetch = 0 : i64, scratch_operands = 3 : i64, tpu.core_type = #tpu.core_type<sc_vector_subcore>, window_params = [{transform_indices = #map}, {transform_indices = #map}, {transform_indices = #map}, {transform_indices = #map}]} {
    %mul3A = arith.constant 2 : i32
    %mul3A_0 = arith.muli %arg1, %mul3A : i32
    %add3A = arith.addi %mul3A_0, %arg0 : i32
    %mul3A_1 = arith.constant 4 : i32
    %mul3A_2 = arith.muli %add3A, %mul3A_1 : i32
    "tpu.region"() ({
      %run_scoped3A = tpu.sem_alloc : memref<!tpu.dma_semaphore, #tpu.memory_space<semaphore_mem>>
      %dma_start3A_83 = arith.constant 0 : i32
      %dma_start3A_84 = tpu.memref_slice %arg3[%mul3A_2, %dma_start3A_83] : memref<128x128xi32, #tpu.memory_space<hbm>> -> memref<4x128xi32, #tpu.memory_space<hbm>>
      %dma_start3A_85 = arith.constant 0 : i32
      %dma_start3A_86 = tpu.memref_slice %arg3[%mul3A_2, %dma_start3A_85] : memref<128x128xi32, #tpu.memory_space<hbm>> -> memref<4x128xi32, #tpu.memory_space<hbm>>
      tpu.enqueue_dma source(%dma_start3A_86 : memref<4x128xi32, #tpu.memory_space<hbm>>) target(%arg6 : memref<4x128xi32, #tpu.memory_space<vmem>>) target_semaphore(%run_scoped3A : memref<!tpu.dma_semaphore, #tpu.memory_space<semaphore_mem>>)
      %dma_wait3A_87 = arith.constant 0 : i32
      %dma_wait3A_88 = tpu.memref_slice %arg3[%mul3A_2, %dma_wait3A_87] : memref<128x128xi32, #tpu.memory_space<hbm>> -> memref<4x128xi32, #tpu.memory_space<hbm>>
      %dma_wait3A_89 = arith.constant 0 : i32
      %dma_wait3A_90 = tpu.memref_slice %arg3[%mul3A_2, %dma_wait3A_89] : memref<128x128xi32, #tpu.memory_space<hbm>> -> memref<4x128xi32, #tpu.memory_space<hbm>>
      tpu.wait_dma2 semaphore(%run_scoped3A : memref<!tpu.dma_semaphore, #tpu.memory_space<semaphore_mem>>) src(%dma_wait3A_90 : memref<4x128xi32, #tpu.memory_space<hbm>>) dst(%arg6 : memref<4x128xi32, #tpu.memory_space<vmem>>)
      tpu.yield
    }) : () -> ()
    %dma_start3A = arith.constant 0 : i32
    %dma_start3A_3 = arith.constant 0 : i32
    %dma_start3A_4 = arith.constant 0 : i32
    %dma_start3A_5 = tpu.memref_slice %arg7[%dma_start3A_3, %dma_start3A_4] : memref<512x64xf32, #tpu.memory_space<vmem>> -> memref<128x64xf32, #tpu.memory_space<vmem>>
    %dma_start3A_6 = arith.constant 0 : i32
    %dma_start3A_7 = tpu.memref_slice %arg6[%dma_start3A, %dma_start3A_6] : memref<4x128xi32, #tpu.memory_space<vmem>> -> memref<1x128xi32, #tpu.memory_space<vmem>>
    %dma_start3A_8 = tpu.memref_squeeze %dma_start3A_7 : memref<1x128xi32, #tpu.memory_space<vmem>> -> memref<128xi32, #tpu.memory_space<vmem>>
    %dma_start3A_9 = arith.constant 0 : i32
    %dma_start3A_10 = arith.constant 0 : i32
    %dma_start3A_11 = tpu.memref_slice %arg2[%dma_start3A_9, %dma_start3A_10] : memref<1000000x64xf32, #tpu.memory_space<hbm>> -> memref<1000000x64xf32, #tpu.memory_space<hbm>>
    tpu.enqueue_indirect_dma source(%dma_start3A_11 : memref<1000000x64xf32, #tpu.memory_space<hbm>>) target(%dma_start3A_5 : memref<128x64xf32, #tpu.memory_space<vmem>>) offsets(%dma_start3A_8 : memref<128xi32, #tpu.memory_space<vmem>>) semaphore(%arg8 : memref<!tpu.dma_semaphore, #tpu.memory_space<semaphore_mem>>)
    %dma_start3A_12 = arith.constant 1 : i32
    %dma_start3A_13 = arith.constant 128 : i32
    %dma_start3A_14 = arith.constant 0 : i32
    %dma_start3A_15 = tpu.memref_slice %arg7[%dma_start3A_13, %dma_start3A_14] : memref<512x64xf32, #tpu.memory_space<vmem>> -> memref<128x64xf32, #tpu.memory_space<vmem>>
    %dma_start3A_16 = arith.constant 0 : i32
    %dma_start3A_17 = tpu.memref_slice %arg6[%dma_start3A_12, %dma_start3A_16] : memref<4x128xi32, #tpu.memory_space<vmem>> -> memref<1x128xi32, #tpu.memory_space<vmem>>
    %dma_start3A_18 = tpu.memref_squeeze %dma_start3A_17 : memref<1x128xi32, #tpu.memory_space<vmem>> -> memref<128xi32, #tpu.memory_space<vmem>>
    %dma_start3A_19 = arith.constant 0 : i32
    %dma_start3A_20 = arith.constant 0 : i32
    %dma_start3A_21 = tpu.memref_slice %arg2[%dma_start3A_19, %dma_start3A_20] : memref<1000000x64xf32, #tpu.memory_space<hbm>> -> memref<1000000x64xf32, #tpu.memory_space<hbm>>
    tpu.enqueue_indirect_dma source(%dma_start3A_21 : memref<1000000x64xf32, #tpu.memory_space<hbm>>) target(%dma_start3A_15 : memref<128x64xf32, #tpu.memory_space<vmem>>) offsets(%dma_start3A_18 : memref<128xi32, #tpu.memory_space<vmem>>) semaphore(%arg8 : memref<!tpu.dma_semaphore, #tpu.memory_space<semaphore_mem>>)
    %dma_start3A_22 = arith.constant 2 : i32
    %dma_start3A_23 = arith.constant 256 : i32
    %dma_start3A_24 = arith.constant 0 : i32
    %dma_start3A_25 = tpu.memref_slice %arg7[%dma_start3A_23, %dma_start3A_24] : memref<512x64xf32, #tpu.memory_space<vmem>> -> memref<128x64xf32, #tpu.memory_space<vmem>>
    %dma_start3A_26 = arith.constant 0 : i32
    %dma_start3A_27 = tpu.memref_slice %arg6[%dma_start3A_22, %dma_start3A_26] : memref<4x128xi32, #tpu.memory_space<vmem>> -> memref<1x128xi32, #tpu.memory_space<vmem>>
    %dma_start3A_28 = tpu.memref_squeeze %dma_start3A_27 : memref<1x128xi32, #tpu.memory_space<vmem>> -> memref<128xi32, #tpu.memory_space<vmem>>
    %dma_start3A_29 = arith.constant 0 : i32
    %dma_start3A_30 = arith.constant 0 : i32
    %dma_start3A_31 = tpu.memref_slice %arg2[%dma_start3A_29, %dma_start3A_30] : memref<1000000x64xf32, #tpu.memory_space<hbm>> -> memref<1000000x64xf32, #tpu.memory_space<hbm>>
    tpu.enqueue_indirect_dma source(%dma_start3A_31 : memref<1000000x64xf32, #tpu.memory_space<hbm>>) target(%dma_start3A_25 : memref<128x64xf32, #tpu.memory_space<vmem>>) offsets(%dma_start3A_28 : memref<128xi32, #tpu.memory_space<vmem>>) semaphore(%arg8 : memref<!tpu.dma_semaphore, #tpu.memory_space<semaphore_mem>>)
    %dma_start3A_32 = arith.constant 3 : i32
    %dma_start3A_33 = arith.constant 384 : i32
    %dma_start3A_34 = arith.constant 0 : i32
    %dma_start3A_35 = tpu.memref_slice %arg7[%dma_start3A_33, %dma_start3A_34] : memref<512x64xf32, #tpu.memory_space<vmem>> -> memref<128x64xf32, #tpu.memory_space<vmem>>
    %dma_start3A_36 = arith.constant 0 : i32
    %dma_start3A_37 = tpu.memref_slice %arg6[%dma_start3A_32, %dma_start3A_36] : memref<4x128xi32, #tpu.memory_space<vmem>> -> memref<1x128xi32, #tpu.memory_space<vmem>>
    %dma_start3A_38 = tpu.memref_squeeze %dma_start3A_37 : memref<1x128xi32, #tpu.memory_space<vmem>> -> memref<128xi32, #tpu.memory_space<vmem>>
    %dma_start3A_39 = arith.constant 0 : i32
    %dma_start3A_40 = arith.constant 0 : i32
    %dma_start3A_41 = tpu.memref_slice %arg2[%dma_start3A_39, %dma_start3A_40] : memref<1000000x64xf32, #tpu.memory_space<hbm>> -> memref<1000000x64xf32, #tpu.memory_space<hbm>>
    tpu.enqueue_indirect_dma source(%dma_start3A_41 : memref<1000000x64xf32, #tpu.memory_space<hbm>>) target(%dma_start3A_35 : memref<128x64xf32, #tpu.memory_space<vmem>>) offsets(%dma_start3A_38 : memref<128xi32, #tpu.memory_space<vmem>>) semaphore(%arg8 : memref<!tpu.dma_semaphore, #tpu.memory_space<semaphore_mem>>)
    %dma_wait3A = arith.constant 0 : i32
    %dma_wait3A_42 = arith.constant 0 : i32
    %dma_wait3A_43 = arith.constant 0 : i32
    %dma_wait3A_44 = tpu.memref_slice %arg7[%dma_wait3A_42, %dma_wait3A_43] : memref<512x64xf32, #tpu.memory_space<vmem>> -> memref<128x64xf32, #tpu.memory_space<vmem>>
    %dma_wait3A_45 = arith.constant 0 : i32
    %dma_wait3A_46 = tpu.memref_slice %arg6[%dma_wait3A, %dma_wait3A_45] : memref<4x128xi32, #tpu.memory_space<vmem>> -> memref<1x128xi32, #tpu.memory_space<vmem>>
    %dma_wait3A_47 = tpu.memref_squeeze %dma_wait3A_46 : memref<1x128xi32, #tpu.memory_space<vmem>> -> memref<128xi32, #tpu.memory_space<vmem>>
    %dma_wait3A_48 = arith.constant 0 : i32
    %dma_wait3A_49 = arith.constant 0 : i32
    %dma_wait3A_50 = tpu.memref_slice %arg2[%dma_wait3A_48, %dma_wait3A_49] : memref<1000000x64xf32, #tpu.memory_space<hbm>> -> memref<1000000x64xf32, #tpu.memory_space<hbm>>
    tpu.wait_indirect_dma semaphore(%arg8 : memref<!tpu.dma_semaphore, #tpu.memory_space<semaphore_mem>>) src(%dma_wait3A_50 : memref<1000000x64xf32, #tpu.memory_space<hbm>>) dst(%dma_wait3A_44 : memref<128x64xf32, #tpu.memory_space<vmem>>)
    %dma_wait3A_51 = arith.constant 1 : i32
    %dma_wait3A_52 = arith.constant 128 : i32
    %dma_wait3A_53 = arith.constant 0 : i32
    %dma_wait3A_54 = tpu.memref_slice %arg7[%dma_wait3A_52, %dma_wait3A_53] : memref<512x64xf32, #tpu.memory_space<vmem>> -> memref<128x64xf32, #tpu.memory_space<vmem>>
    %dma_wait3A_55 = arith.constant 0 : i32
    %dma_wait3A_56 = tpu.memref_slice %arg6[%dma_wait3A_51, %dma_wait3A_55] : memref<4x128xi32, #tpu.memory_space<vmem>> -> memref<1x128xi32, #tpu.memory_space<vmem>>
    %dma_wait3A_57 = tpu.memref_squeeze %dma_wait3A_56 : memref<1x128xi32, #tpu.memory_space<vmem>> -> memref<128xi32, #tpu.memory_space<vmem>>
    %dma_wait3A_58 = arith.constant 0 : i32
    %dma_wait3A_59 = arith.constant 0 : i32
    %dma_wait3A_60 = tpu.memref_slice %arg2[%dma_wait3A_58, %dma_wait3A_59] : memref<1000000x64xf32, #tpu.memory_space<hbm>> -> memref<1000000x64xf32, #tpu.memory_space<hbm>>
    tpu.wait_indirect_dma semaphore(%arg8 : memref<!tpu.dma_semaphore, #tpu.memory_space<semaphore_mem>>) src(%dma_wait3A_60 : memref<1000000x64xf32, #tpu.memory_space<hbm>>) dst(%dma_wait3A_54 : memref<128x64xf32, #tpu.memory_space<vmem>>)
    %dma_wait3A_61 = arith.constant 2 : i32
    %dma_wait3A_62 = arith.constant 256 : i32
    %dma_wait3A_63 = arith.constant 0 : i32
    %dma_wait3A_64 = tpu.memref_slice %arg7[%dma_wait3A_62, %dma_wait3A_63] : memref<512x64xf32, #tpu.memory_space<vmem>> -> memref<128x64xf32, #tpu.memory_space<vmem>>
    %dma_wait3A_65 = arith.constant 0 : i32
    %dma_wait3A_66 = tpu.memref_slice %arg6[%dma_wait3A_61, %dma_wait3A_65] : memref<4x128xi32, #tpu.memory_space<vmem>> -> memref<1x128xi32, #tpu.memory_space<vmem>>
    %dma_wait3A_67 = tpu.memref_squeeze %dma_wait3A_66 : memref<1x128xi32, #tpu.memory_space<vmem>> -> memref<128xi32, #tpu.memory_space<vmem>>
    %dma_wait3A_68 = arith.constant 0 : i32
    %dma_wait3A_69 = arith.constant 0 : i32
    %dma_wait3A_70 = tpu.memref_slice %arg2[%dma_wait3A_68, %dma_wait3A_69] : memref<1000000x64xf32, #tpu.memory_space<hbm>> -> memref<1000000x64xf32, #tpu.memory_space<hbm>>
    tpu.wait_indirect_dma semaphore(%arg8 : memref<!tpu.dma_semaphore, #tpu.memory_space<semaphore_mem>>) src(%dma_wait3A_70 : memref<1000000x64xf32, #tpu.memory_space<hbm>>) dst(%dma_wait3A_64 : memref<128x64xf32, #tpu.memory_space<vmem>>)
    %dma_wait3A_71 = arith.constant 3 : i32
    %dma_wait3A_72 = arith.constant 384 : i32
    %dma_wait3A_73 = arith.constant 0 : i32
    %dma_wait3A_74 = tpu.memref_slice %arg7[%dma_wait3A_72, %dma_wait3A_73] : memref<512x64xf32, #tpu.memory_space<vmem>> -> memref<128x64xf32, #tpu.memory_space<vmem>>
    %dma_wait3A_75 = arith.constant 0 : i32
    %dma_wait3A_76 = tpu.memref_slice %arg6[%dma_wait3A_71, %dma_wait3A_75] : memref<4x128xi32, #tpu.memory_space<vmem>> -> memref<1x128xi32, #tpu.memory_space<vmem>>
    %dma_wait3A_77 = tpu.memref_squeeze %dma_wait3A_76 : memref<1x128xi32, #tpu.memory_space<vmem>> -> memref<128xi32, #tpu.memory_space<vmem>>
    %dma_wait3A_78 = arith.constant 0 : i32
    %dma_wait3A_79 = arith.constant 0 : i32
    %dma_wait3A_80 = tpu.memref_slice %arg2[%dma_wait3A_78, %dma_wait3A_79] : memref<1000000x64xf32, #tpu.memory_space<hbm>> -> memref<1000000x64xf32, #tpu.memory_space<hbm>>
    tpu.wait_indirect_dma semaphore(%arg8 : memref<!tpu.dma_semaphore, #tpu.memory_space<semaphore_mem>>) src(%dma_wait3A_80 : memref<1000000x64xf32, #tpu.memory_space<hbm>>) dst(%dma_wait3A_74 : memref<128x64xf32, #tpu.memory_space<vmem>>)
    %mul3A_81 = arith.constant 512 : i32
    %mul3A_82 = arith.muli %add3A, %mul3A_81 : i32
    "tpu.region"() ({
      %run_scoped3A = tpu.sem_alloc : memref<!tpu.dma_semaphore, #tpu.memory_space<semaphore_mem>>
      %dma_start3A_83 = arith.constant 0 : i32
      %dma_start3A_84 = tpu.memref_slice %arg4[%mul3A_82, %dma_start3A_83] : memref<16384x64xf32, #tpu.memory_space<hbm>> -> memref<512x64xf32, #tpu.memory_space<hbm>>
      %dma_start3A_85 = arith.constant 0 : i32
      %dma_start3A_86 = tpu.memref_slice %arg4[%mul3A_82, %dma_start3A_85] : memref<16384x64xf32, #tpu.memory_space<hbm>> -> memref<512x64xf32, #tpu.memory_space<hbm>>
      tpu.enqueue_dma source(%arg7 : memref<512x64xf32, #tpu.memory_space<vmem>>) target(%dma_start3A_86 : memref<512x64xf32, #tpu.memory_space<hbm>>) target_semaphore(%run_scoped3A : memref<!tpu.dma_semaphore, #tpu.memory_space<semaphore_mem>>)
      %dma_wait3A_87 = arith.constant 0 : i32
      %dma_wait3A_88 = tpu.memref_slice %arg4[%mul3A_82, %dma_wait3A_87] : memref<16384x64xf32, #tpu.memory_space<hbm>> -> memref<512x64xf32, #tpu.memory_space<hbm>>
      %dma_wait3A_89 = arith.constant 0 : i32
      %dma_wait3A_90 = tpu.memref_slice %arg4[%mul3A_82, %dma_wait3A_89] : memref<16384x64xf32, #tpu.memory_space<hbm>> -> memref<512x64xf32, #tpu.memory_space<hbm>>
      tpu.wait_dma2 semaphore(%run_scoped3A : memref<!tpu.dma_semaphore, #tpu.memory_space<semaphore_mem>>) src(%arg7 : memref<512x64xf32, #tpu.memory_space<vmem>>) dst(%dma_wait3A_90 : memref<512x64xf32, #tpu.memory_space<hbm>>)
      tpu.yield
    }) : () -> ()
    return
  }
}

#map = affine_map<(d0, d1) -> (0, 0)>
module attributes {stable_mosaic.version = 14 : i64} {
  func.func @new_body(%arg0: i32, %arg1: i32, %arg2: memref<1000000x64xf32, #tpu.memory_space<hbm>>, %arg3: memref<16384x64xf32, #tpu.memory_space<hbm>>, %arg4: memref<128x128xi32, #tpu.memory_space<hbm>>, %arg5: memref<1000000x64xf32, #tpu.memory_space<hbm>>, %arg6: memref<4x128xi32, #tpu.memory_space<vmem>>, %arg7: memref<512x64xf32, #tpu.memory_space<vmem>>, %arg8: memref<!tpu.dma_semaphore, #tpu.memory_space<semaphore_mem>>) attributes {dimension_semantics = [#tpu.dimension_semantics<core_parallel>, #tpu.dimension_semantics<subcore_parallel>], iteration_bounds = array<i64: 2, 16>, scalar_prefetch = 0 : i64, scratch_operands = 3 : i64, tpu.core_type = #tpu.core_type<sc_vector_subcore>, window_params = [{transform_indices = #map}, {transform_indices = #map}, {transform_indices = #map}, {transform_indices = #map}]} {
    %mul3A = arith.constant 2 : i32
    %mul3A_0 = arith.muli %arg1, %mul3A : i32
    %add3A = arith.addi %mul3A_0, %arg0 : i32
    %mul3A_1 = arith.constant 4 : i32
    %mul3A_2 = arith.muli %add3A, %mul3A_1 : i32
    "tpu.region"() ({
      %run_scoped3A = tpu.sem_alloc : memref<!tpu.dma_semaphore, #tpu.memory_space<semaphore_mem>>
      %dma_start3A_83 = arith.constant 0 : i32
      %dma_start3A_84 = tpu.memref_slice %arg4[%mul3A_2, %dma_start3A_83] : memref<128x128xi32, #tpu.memory_space<hbm>> -> memref<4x128xi32, #tpu.memory_space<hbm>>
      %dma_start3A_85 = arith.constant 0 : i32
      %dma_start3A_86 = tpu.memref_slice %arg4[%mul3A_2, %dma_start3A_85] : memref<128x128xi32, #tpu.memory_space<hbm>> -> memref<4x128xi32, #tpu.memory_space<hbm>>
      tpu.enqueue_dma source(%dma_start3A_86 : memref<4x128xi32, #tpu.memory_space<hbm>>) target(%arg6 : memref<4x128xi32, #tpu.memory_space<vmem>>) target_semaphore(%run_scoped3A : memref<!tpu.dma_semaphore, #tpu.memory_space<semaphore_mem>>)
      %dma_wait3A_87 = arith.constant 0 : i32
      %dma_wait3A_88 = tpu.memref_slice %arg4[%mul3A_2, %dma_wait3A_87] : memref<128x128xi32, #tpu.memory_space<hbm>> -> memref<4x128xi32, #tpu.memory_space<hbm>>
      %dma_wait3A_89 = arith.constant 0 : i32
      %dma_wait3A_90 = tpu.memref_slice %arg4[%mul3A_2, %dma_wait3A_89] : memref<128x128xi32, #tpu.memory_space<hbm>> -> memref<4x128xi32, #tpu.memory_space<hbm>>
      tpu.wait_dma2 semaphore(%run_scoped3A : memref<!tpu.dma_semaphore, #tpu.memory_space<semaphore_mem>>) src(%dma_wait3A_90 : memref<4x128xi32, #tpu.memory_space<hbm>>) dst(%arg6 : memref<4x128xi32, #tpu.memory_space<vmem>>)
      tpu.yield
    }) : () -> ()
    %mul3A_3 = arith.constant 512 : i32
    %mul3A_4 = arith.muli %add3A, %mul3A_3 : i32
    "tpu.region"() ({
      %run_scoped3A = tpu.sem_alloc : memref<!tpu.dma_semaphore, #tpu.memory_space<semaphore_mem>>
      %dma_start3A_83 = arith.constant 0 : i32
      %dma_start3A_84 = tpu.memref_slice %arg3[%mul3A_4, %dma_start3A_83] : memref<16384x64xf32, #tpu.memory_space<hbm>> -> memref<512x64xf32, #tpu.memory_space<hbm>>
      %dma_start3A_85 = arith.constant 0 : i32
      %dma_start3A_86 = tpu.memref_slice %arg3[%mul3A_4, %dma_start3A_85] : memref<16384x64xf32, #tpu.memory_space<hbm>> -> memref<512x64xf32, #tpu.memory_space<hbm>>
      tpu.enqueue_dma source(%dma_start3A_86 : memref<512x64xf32, #tpu.memory_space<hbm>>) target(%arg7 : memref<512x64xf32, #tpu.memory_space<vmem>>) target_semaphore(%run_scoped3A : memref<!tpu.dma_semaphore, #tpu.memory_space<semaphore_mem>>)
      %dma_wait3A_87 = arith.constant 0 : i32
      %dma_wait3A_88 = tpu.memref_slice %arg3[%mul3A_4, %dma_wait3A_87] : memref<16384x64xf32, #tpu.memory_space<hbm>> -> memref<512x64xf32, #tpu.memory_space<hbm>>
      %dma_wait3A_89 = arith.constant 0 : i32
      %dma_wait3A_90 = tpu.memref_slice %arg3[%mul3A_4, %dma_wait3A_89] : memref<16384x64xf32, #tpu.memory_space<hbm>> -> memref<512x64xf32, #tpu.memory_space<hbm>>
      tpu.wait_dma2 semaphore(%run_scoped3A : memref<!tpu.dma_semaphore, #tpu.memory_space<semaphore_mem>>) src(%dma_wait3A_90 : memref<512x64xf32, #tpu.memory_space<hbm>>) dst(%arg7 : memref<512x64xf32, #tpu.memory_space<vmem>>)
      tpu.yield
    }) : () -> ()
    %dma_start3A = arith.constant 0 : i32
    %dma_start3A_5 = arith.constant 0 : i32
    %dma_start3A_6 = arith.constant 0 : i32
    %dma_start3A_7 = tpu.memref_slice %arg7[%dma_start3A_5, %dma_start3A_6] : memref<512x64xf32, #tpu.memory_space<vmem>> -> memref<128x64xf32, #tpu.memory_space<vmem>>
    %dma_start3A_8 = arith.constant 0 : i32
    %dma_start3A_9 = tpu.memref_slice %arg6[%dma_start3A, %dma_start3A_8] : memref<4x128xi32, #tpu.memory_space<vmem>> -> memref<1x128xi32, #tpu.memory_space<vmem>>
    %dma_start3A_10 = tpu.memref_squeeze %dma_start3A_9 : memref<1x128xi32, #tpu.memory_space<vmem>> -> memref<128xi32, #tpu.memory_space<vmem>>
    %dma_start3A_11 = arith.constant 0 : i32
    %dma_start3A_12 = arith.constant 0 : i32
    %dma_start3A_13 = tpu.memref_slice %arg2[%dma_start3A_11, %dma_start3A_12] : memref<1000000x64xf32, #tpu.memory_space<hbm>> -> memref<1000000x64xf32, #tpu.memory_space<hbm>>
    tpu.enqueue_indirect_dma source(%dma_start3A_7 : memref<128x64xf32, #tpu.memory_space<vmem>>) target(%dma_start3A_13 : memref<1000000x64xf32, #tpu.memory_space<hbm>>) offsets(%dma_start3A_10 : memref<128xi32, #tpu.memory_space<vmem>>) semaphore(%arg8 : memref<!tpu.dma_semaphore, #tpu.memory_space<semaphore_mem>>)
    %dma_start3A_14 = arith.constant 1 : i32
    %dma_start3A_15 = arith.constant 128 : i32
    %dma_start3A_16 = arith.constant 0 : i32
    %dma_start3A_17 = tpu.memref_slice %arg7[%dma_start3A_15, %dma_start3A_16] : memref<512x64xf32, #tpu.memory_space<vmem>> -> memref<128x64xf32, #tpu.memory_space<vmem>>
    %dma_start3A_18 = arith.constant 0 : i32
    %dma_start3A_19 = tpu.memref_slice %arg6[%dma_start3A_14, %dma_start3A_18] : memref<4x128xi32, #tpu.memory_space<vmem>> -> memref<1x128xi32, #tpu.memory_space<vmem>>
    %dma_start3A_20 = tpu.memref_squeeze %dma_start3A_19 : memref<1x128xi32, #tpu.memory_space<vmem>> -> memref<128xi32, #tpu.memory_space<vmem>>
    %dma_start3A_21 = arith.constant 0 : i32
    %dma_start3A_22 = arith.constant 0 : i32
    %dma_start3A_23 = tpu.memref_slice %arg2[%dma_start3A_21, %dma_start3A_22] : memref<1000000x64xf32, #tpu.memory_space<hbm>> -> memref<1000000x64xf32, #tpu.memory_space<hbm>>
    tpu.enqueue_indirect_dma source(%dma_start3A_17 : memref<128x64xf32, #tpu.memory_space<vmem>>) target(%dma_start3A_23 : memref<1000000x64xf32, #tpu.memory_space<hbm>>) offsets(%dma_start3A_20 : memref<128xi32, #tpu.memory_space<vmem>>) semaphore(%arg8 : memref<!tpu.dma_semaphore, #tpu.memory_space<semaphore_mem>>)
    %dma_start3A_24 = arith.constant 2 : i32
    %dma_start3A_25 = arith.constant 256 : i32
    %dma_start3A_26 = arith.constant 0 : i32
    %dma_start3A_27 = tpu.memref_slice %arg7[%dma_start3A_25, %dma_start3A_26] : memref<512x64xf32, #tpu.memory_space<vmem>> -> memref<128x64xf32, #tpu.memory_space<vmem>>
    %dma_start3A_28 = arith.constant 0 : i32
    %dma_start3A_29 = tpu.memref_slice %arg6[%dma_start3A_24, %dma_start3A_28] : memref<4x128xi32, #tpu.memory_space<vmem>> -> memref<1x128xi32, #tpu.memory_space<vmem>>
    %dma_start3A_30 = tpu.memref_squeeze %dma_start3A_29 : memref<1x128xi32, #tpu.memory_space<vmem>> -> memref<128xi32, #tpu.memory_space<vmem>>
    %dma_start3A_31 = arith.constant 0 : i32
    %dma_start3A_32 = arith.constant 0 : i32
    %dma_start3A_33 = tpu.memref_slice %arg2[%dma_start3A_31, %dma_start3A_32] : memref<1000000x64xf32, #tpu.memory_space<hbm>> -> memref<1000000x64xf32, #tpu.memory_space<hbm>>
    tpu.enqueue_indirect_dma source(%dma_start3A_27 : memref<128x64xf32, #tpu.memory_space<vmem>>) target(%dma_start3A_33 : memref<1000000x64xf32, #tpu.memory_space<hbm>>) offsets(%dma_start3A_30 : memref<128xi32, #tpu.memory_space<vmem>>) semaphore(%arg8 : memref<!tpu.dma_semaphore, #tpu.memory_space<semaphore_mem>>)
    %dma_start3A_34 = arith.constant 3 : i32
    %dma_start3A_35 = arith.constant 384 : i32
    %dma_start3A_36 = arith.constant 0 : i32
    %dma_start3A_37 = tpu.memref_slice %arg7[%dma_start3A_35, %dma_start3A_36] : memref<512x64xf32, #tpu.memory_space<vmem>> -> memref<128x64xf32, #tpu.memory_space<vmem>>
    %dma_start3A_38 = arith.constant 0 : i32
    %dma_start3A_39 = tpu.memref_slice %arg6[%dma_start3A_34, %dma_start3A_38] : memref<4x128xi32, #tpu.memory_space<vmem>> -> memref<1x128xi32, #tpu.memory_space<vmem>>
    %dma_start3A_40 = tpu.memref_squeeze %dma_start3A_39 : memref<1x128xi32, #tpu.memory_space<vmem>> -> memref<128xi32, #tpu.memory_space<vmem>>
    %dma_start3A_41 = arith.constant 0 : i32
    %dma_start3A_42 = arith.constant 0 : i32
    %dma_start3A_43 = tpu.memref_slice %arg2[%dma_start3A_41, %dma_start3A_42] : memref<1000000x64xf32, #tpu.memory_space<hbm>> -> memref<1000000x64xf32, #tpu.memory_space<hbm>>
    tpu.enqueue_indirect_dma source(%dma_start3A_37 : memref<128x64xf32, #tpu.memory_space<vmem>>) target(%dma_start3A_43 : memref<1000000x64xf32, #tpu.memory_space<hbm>>) offsets(%dma_start3A_40 : memref<128xi32, #tpu.memory_space<vmem>>) semaphore(%arg8 : memref<!tpu.dma_semaphore, #tpu.memory_space<semaphore_mem>>)
    %dma_wait3A = arith.constant 0 : i32
    %dma_wait3A_44 = arith.constant 0 : i32
    %dma_wait3A_45 = arith.constant 0 : i32
    %dma_wait3A_46 = tpu.memref_slice %arg7[%dma_wait3A_44, %dma_wait3A_45] : memref<512x64xf32, #tpu.memory_space<vmem>> -> memref<128x64xf32, #tpu.memory_space<vmem>>
    %dma_wait3A_47 = arith.constant 0 : i32
    %dma_wait3A_48 = tpu.memref_slice %arg6[%dma_wait3A, %dma_wait3A_47] : memref<4x128xi32, #tpu.memory_space<vmem>> -> memref<1x128xi32, #tpu.memory_space<vmem>>
    %dma_wait3A_49 = tpu.memref_squeeze %dma_wait3A_48 : memref<1x128xi32, #tpu.memory_space<vmem>> -> memref<128xi32, #tpu.memory_space<vmem>>
    %dma_wait3A_50 = arith.constant 0 : i32
    %dma_wait3A_51 = arith.constant 0 : i32
    %dma_wait3A_52 = tpu.memref_slice %arg2[%dma_wait3A_50, %dma_wait3A_51] : memref<1000000x64xf32, #tpu.memory_space<hbm>> -> memref<1000000x64xf32, #tpu.memory_space<hbm>>
    tpu.wait_indirect_dma semaphore(%arg8 : memref<!tpu.dma_semaphore, #tpu.memory_space<semaphore_mem>>) src(%dma_wait3A_46 : memref<128x64xf32, #tpu.memory_space<vmem>>) dst(%dma_wait3A_52 : memref<1000000x64xf32, #tpu.memory_space<hbm>>)
    %dma_wait3A_53 = arith.constant 1 : i32
    %dma_wait3A_54 = arith.constant 128 : i32
    %dma_wait3A_55 = arith.constant 0 : i32
    %dma_wait3A_56 = tpu.memref_slice %arg7[%dma_wait3A_54, %dma_wait3A_55] : memref<512x64xf32, #tpu.memory_space<vmem>> -> memref<128x64xf32, #tpu.memory_space<vmem>>
    %dma_wait3A_57 = arith.constant 0 : i32
    %dma_wait3A_58 = tpu.memref_slice %arg6[%dma_wait3A_53, %dma_wait3A_57] : memref<4x128xi32, #tpu.memory_space<vmem>> -> memref<1x128xi32, #tpu.memory_space<vmem>>
    %dma_wait3A_59 = tpu.memref_squeeze %dma_wait3A_58 : memref<1x128xi32, #tpu.memory_space<vmem>> -> memref<128xi32, #tpu.memory_space<vmem>>
    %dma_wait3A_60 = arith.constant 0 : i32
    %dma_wait3A_61 = arith.constant 0 : i32
    %dma_wait3A_62 = tpu.memref_slice %arg2[%dma_wait3A_60, %dma_wait3A_61] : memref<1000000x64xf32, #tpu.memory_space<hbm>> -> memref<1000000x64xf32, #tpu.memory_space<hbm>>
    tpu.wait_indirect_dma semaphore(%arg8 : memref<!tpu.dma_semaphore, #tpu.memory_space<semaphore_mem>>) src(%dma_wait3A_56 : memref<128x64xf32, #tpu.memory_space<vmem>>) dst(%dma_wait3A_62 : memref<1000000x64xf32, #tpu.memory_space<hbm>>)
    %dma_wait3A_63 = arith.constant 2 : i32
    %dma_wait3A_64 = arith.constant 256 : i32
    %dma_wait3A_65 = arith.constant 0 : i32
    %dma_wait3A_66 = tpu.memref_slice %arg7[%dma_wait3A_64, %dma_wait3A_65] : memref<512x64xf32, #tpu.memory_space<vmem>> -> memref<128x64xf32, #tpu.memory_space<vmem>>
    %dma_wait3A_67 = arith.constant 0 : i32
    %dma_wait3A_68 = tpu.memref_slice %arg6[%dma_wait3A_63, %dma_wait3A_67] : memref<4x128xi32, #tpu.memory_space<vmem>> -> memref<1x128xi32, #tpu.memory_space<vmem>>
    %dma_wait3A_69 = tpu.memref_squeeze %dma_wait3A_68 : memref<1x128xi32, #tpu.memory_space<vmem>> -> memref<128xi32, #tpu.memory_space<vmem>>
    %dma_wait3A_70 = arith.constant 0 : i32
    %dma_wait3A_71 = arith.constant 0 : i32
    %dma_wait3A_72 = tpu.memref_slice %arg2[%dma_wait3A_70, %dma_wait3A_71] : memref<1000000x64xf32, #tpu.memory_space<hbm>> -> memref<1000000x64xf32, #tpu.memory_space<hbm>>
    tpu.wait_indirect_dma semaphore(%arg8 : memref<!tpu.dma_semaphore, #tpu.memory_space<semaphore_mem>>) src(%dma_wait3A_66 : memref<128x64xf32, #tpu.memory_space<vmem>>) dst(%dma_wait3A_72 : memref<1000000x64xf32, #tpu.memory_space<hbm>>)
    %dma_wait3A_73 = arith.constant 3 : i32
    %dma_wait3A_74 = arith.constant 384 : i32
    %dma_wait3A_75 = arith.constant 0 : i32
    %dma_wait3A_76 = tpu.memref_slice %arg7[%dma_wait3A_74, %dma_wait3A_75] : memref<512x64xf32, #tpu.memory_space<vmem>> -> memref<128x64xf32, #tpu.memory_space<vmem>>
    %dma_wait3A_77 = arith.constant 0 : i32
    %dma_wait3A_78 = tpu.memref_slice %arg6[%dma_wait3A_73, %dma_wait3A_77] : memref<4x128xi32, #tpu.memory_space<vmem>> -> memref<1x128xi32, #tpu.memory_space<vmem>>
    %dma_wait3A_79 = tpu.memref_squeeze %dma_wait3A_78 : memref<1x128xi32, #tpu.memory_space<vmem>> -> memref<128xi32, #tpu.memory_space<vmem>>
    %dma_wait3A_80 = arith.constant 0 : i32
    %dma_wait3A_81 = arith.constant 0 : i32
    %dma_wait3A_82 = tpu.memref_slice %arg2[%dma_wait3A_80, %dma_wait3A_81] : memref<1000000x64xf32, #tpu.memory_space<hbm>> -> memref<1000000x64xf32, #tpu.memory_space<hbm>>
    tpu.wait_indirect_dma semaphore(%arg8 : memref<!tpu.dma_semaphore, #tpu.memory_space<semaphore_mem>>) src(%dma_wait3A_76 : memref<128x64xf32, #tpu.memory_space<vmem>>) dst(%dma_wait3A_82 : memref<1000000x64xf32, #tpu.memory_space<hbm>>)
    return
  }
}

module attributes {stable_mosaic.version = 14 : i64} {
  func.func @_chain_body(%arg0: i32, %arg1: memref<2048x64xf32, #tpu.memory_space<vmem>>, %arg2: memref<64x64xf32, #tpu.memory_space<vmem>>, %arg3: memref<10x64x2048xf32, #tpu.memory_space<vmem>>, %arg4: memref<2048x64xf32, #tpu.memory_space<vmem>>) attributes {dimension_semantics = [#tpu.dimension_semantics<arbitrary>], iteration_bounds = array<i64: 8>, scalar_prefetch = 0 : i64, scratch_operands = 0 : i64, tpu.core_type = #tpu.core_type<tc>, window_params = [{transform_indices = @transform_0, window_bounds = array<i64: 2048, 64>}, {pipeline_mode = #tpu.pipeline_mode<synchronous>, transform_indices = @transform_1, window_bounds = array<i64: 64, 64>}, {transform_indices = @transform_2, window_bounds = array<i64: 10, 64, 2048>}, {transform_indices = @transform_3, window_bounds = array<i64: 2048, 64>}]} {
    %iota3A = tpu.iota {dimensions = array<i32: 0>} : vector<64x64xi32>
    %iota3A_0 = tpu.iota {dimensions = array<i32: 1>} : vector<64x64xi32>
    %eq3A = arith.cmpi eq, %iota3A, %iota3A_0 : vector<64x64xi32>
    %convert_element_type3A = arith.extui %eq3A : vector<64x64xi1> to vector<64x64xi32>
    %convert_element_type3A_1 = arith.sitofp %convert_element_type3A : vector<64x64xi32> to vector<64x64xf32>
    %get3A = arith.constant 0 : index
    %get3A_2 = arith.constant 0 : index
    %get3A_3 = vector.load %arg2[%get3A, %get3A_2] : memref<64x64xf32, #tpu.memory_space<vmem>>, vector<64x64xf32>
    %dot_general3A = arith.constant dense<0.000000e+00> : vector<64x64xf32>
    %dot_general3A_4 = tpu.matmul %get3A_3, %get3A_3, %dot_general3A {dimension_numbers = #tpu.dot_dimension_numbers<[0], [0], [1], [1], [0, 1, 1, 1], [], []>, transpose_lhs_hint = false} : vector<64x64xf32>, vector<64x64xf32>, vector<64x64xf32> -> vector<64x64xf32>
    %get3A_5 = arith.constant 0 : index
    %get3A_6 = arith.constant 0 : index
    %get3A_7 = vector.load %arg1[%get3A_5, %get3A_6] : memref<2048x64xf32, #tpu.memory_space<vmem>>, vector<2048x64xf32>
    %dot_general3A_8 = arith.constant dense<0.000000e+00> : vector<64x2048xf32>
    %dot_general3A_9 = tpu.matmul %convert_element_type3A_1, %get3A_7, %dot_general3A_8 {dimension_numbers = #tpu.dot_dimension_numbers<[0], [1], [1], [0], [0, 1, 1, 0], [], []>, precision = #tpu.contract_precision<fp32>, transpose_lhs_hint = false} : vector<64x64xf32>, vector<2048x64xf32>, vector<64x2048xf32> -> vector<64x2048xf32>
    %dot_general3A_10 = arith.constant dense<0.000000e+00> : vector<64x2048xf32>
    %dot_general3A_11 = tpu.matmul %dot_general3A_4, %dot_general3A_9, %dot_general3A_10 {dimension_numbers = #tpu.dot_dimension_numbers<[1], [0], [0], [1], [0, 0, 1, 1], [], []>, transpose_lhs_hint = false} : vector<64x64xf32>, vector<64x2048xf32>, vector<64x2048xf32> -> vector<64x2048xf32>
    %mul3A = arith.constant 9.900000e-01 : f32
    %mul3A_12 = vector.broadcast %mul3A : f32 to vector<64x2048xf32>
    %mul3A_13 = arith.mulf %mul3A_12, %dot_general3A_9 : vector<64x2048xf32>
    %mul3A_14 = arith.constant 0.00999999977 : f32
    %mul3A_15 = vector.broadcast %mul3A_14 : f32 to vector<64x2048xf32>
    %mul3A_16 = arith.mulf %mul3A_15, %dot_general3A_11 : vector<64x2048xf32>
    %sub3A = arith.subf %mul3A_13, %mul3A_16 : vector<64x2048xf32>
    %get3A_17 = arith.constant 0 : index
    %get3A_18 = arith.constant 0 : index
    %get3A_19 = arith.constant 0 : index
    %get3A_20 = vector.load %arg3[%get3A_17, %get3A_18, %get3A_19] : memref<10x64x2048xf32, #tpu.memory_space<vmem>>, vector<1x64x2048xf32>
    %get3A_21 = vector.shape_cast %get3A_20 : vector<1x64x2048xf32> to vector<64x2048xf32>
    %mul3A_22 = arith.constant 0.141421363 : f32
    %mul3A_23 = vector.broadcast %mul3A_22 : f32 to vector<64x2048xf32>
    %mul3A_24 = arith.mulf %mul3A_23, %get3A_21 : vector<64x2048xf32>
    %add3A = arith.addf %sub3A, %mul3A_24 : vector<64x2048xf32>
    %dot_general3A_25 = arith.constant dense<0.000000e+00> : vector<64x2048xf32>
    %dot_general3A_26 = tpu.matmul %dot_general3A_4, %add3A, %dot_general3A_25 {dimension_numbers = #tpu.dot_dimension_numbers<[1], [0], [0], [1], [0, 0, 1, 1], [], []>, transpose_lhs_hint = false} : vector<64x64xf32>, vector<64x2048xf32>, vector<64x2048xf32> -> vector<64x2048xf32>
    %mul3A_27 = arith.constant 9.900000e-01 : f32
    %mul3A_28 = vector.broadcast %mul3A_27 : f32 to vector<64x2048xf32>
    %mul3A_29 = arith.mulf %mul3A_28, %add3A : vector<64x2048xf32>
    %mul3A_30 = arith.constant 0.00999999977 : f32
    %mul3A_31 = vector.broadcast %mul3A_30 : f32 to vector<64x2048xf32>
    %mul3A_32 = arith.mulf %mul3A_31, %dot_general3A_26 : vector<64x2048xf32>
    %sub3A_33 = arith.subf %mul3A_29, %mul3A_32 : vector<64x2048xf32>
    %get3A_34 = arith.constant 1 : index
    %get3A_35 = arith.constant 0 : index
    %get3A_36 = arith.constant 0 : index
    %get3A_37 = vector.load %arg3[%get3A_34, %get3A_35, %get3A_36] : memref<10x64x2048xf32, #tpu.memory_space<vmem>>, vector<1x64x2048xf32>
    %get3A_38 = vector.shape_cast %get3A_37 : vector<1x64x2048xf32> to vector<64x2048xf32>
    %mul3A_39 = arith.constant 0.141421363 : f32
    %mul3A_40 = vector.broadcast %mul3A_39 : f32 to vector<64x2048xf32>
    %mul3A_41 = arith.mulf %mul3A_40, %get3A_38 : vector<64x2048xf32>
    %add3A_42 = arith.addf %sub3A_33, %mul3A_41 : vector<64x2048xf32>
    %dot_general3A_43 = arith.constant dense<0.000000e+00> : vector<64x2048xf32>
    %dot_general3A_44 = tpu.matmul %dot_general3A_4, %add3A_42, %dot_general3A_43 {dimension_numbers = #tpu.dot_dimension_numbers<[1], [0], [0], [1], [0, 0, 1, 1], [], []>, transpose_lhs_hint = false} : vector<64x64xf32>, vector<64x2048xf32>, vector<64x2048xf32> -> vector<64x2048xf32>
    %mul3A_45 = arith.constant 9.900000e-01 : f32
    %mul3A_46 = vector.broadcast %mul3A_45 : f32 to vector<64x2048xf32>
    %mul3A_47 = arith.mulf %mul3A_46, %add3A_42 : vector<64x2048xf32>
    %mul3A_48 = arith.constant 0.00999999977 : f32
    %mul3A_49 = vector.broadcast %mul3A_48 : f32 to vector<64x2048xf32>
    %mul3A_50 = arith.mulf %mul3A_49, %dot_general3A_44 : vector<64x2048xf32>
    %sub3A_51 = arith.subf %mul3A_47, %mul3A_50 : vector<64x2048xf32>
    %get3A_52 = arith.constant 2 : index
    %get3A_53 = arith.constant 0 : index
    %get3A_54 = arith.constant 0 : index
    %get3A_55 = vector.load %arg3[%get3A_52, %get3A_53, %get3A_54] : memref<10x64x2048xf32, #tpu.memory_space<vmem>>, vector<1x64x2048xf32>
    %get3A_56 = vector.shape_cast %get3A_55 : vector<1x64x2048xf32> to vector<64x2048xf32>
    %mul3A_57 = arith.constant 0.141421363 : f32
    %mul3A_58 = vector.broadcast %mul3A_57 : f32 to vector<64x2048xf32>
    %mul3A_59 = arith.mulf %mul3A_58, %get3A_56 : vector<64x2048xf32>
    %add3A_60 = arith.addf %sub3A_51, %mul3A_59 : vector<64x2048xf32>
    %dot_general3A_61 = arith.constant dense<0.000000e+00> : vector<64x2048xf32>
    %dot_general3A_62 = tpu.matmul %dot_general3A_4, %add3A_60, %dot_general3A_61 {dimension_numbers = #tpu.dot_dimension_numbers<[1], [0], [0], [1], [0, 0, 1, 1], [], []>, transpose_lhs_hint = false} : vector<64x64xf32>, vector<64x2048xf32>, vector<64x2048xf32> -> vector<64x2048xf32>
    %mul3A_63 = arith.constant 9.900000e-01 : f32
    %mul3A_64 = vector.broadcast %mul3A_63 : f32 to vector<64x2048xf32>
    %mul3A_65 = arith.mulf %mul3A_64, %add3A_60 : vector<64x2048xf32>
    %mul3A_66 = arith.constant 0.00999999977 : f32
    %mul3A_67 = vector.broadcast %mul3A_66 : f32 to vector<64x2048xf32>
    %mul3A_68 = arith.mulf %mul3A_67, %dot_general3A_62 : vector<64x2048xf32>
    %sub3A_69 = arith.subf %mul3A_65, %mul3A_68 : vector<64x2048xf32>
    %get3A_70 = arith.constant 3 : index
    %get3A_71 = arith.constant 0 : index
    %get3A_72 = arith.constant 0 : index
    %get3A_73 = vector.load %arg3[%get3A_70, %get3A_71, %get3A_72] : memref<10x64x2048xf32, #tpu.memory_space<vmem>>, vector<1x64x2048xf32>
    %get3A_74 = vector.shape_cast %get3A_73 : vector<1x64x2048xf32> to vector<64x2048xf32>
    %mul3A_75 = arith.constant 0.141421363 : f32
    %mul3A_76 = vector.broadcast %mul3A_75 : f32 to vector<64x2048xf32>
    %mul3A_77 = arith.mulf %mul3A_76, %get3A_74 : vector<64x2048xf32>
    %add3A_78 = arith.addf %sub3A_69, %mul3A_77 : vector<64x2048xf32>
    %dot_general3A_79 = arith.constant dense<0.000000e+00> : vector<64x2048xf32>
    %dot_general3A_80 = tpu.matmul %dot_general3A_4, %add3A_78, %dot_general3A_79 {dimension_numbers = #tpu.dot_dimension_numbers<[1], [0], [0], [1], [0, 0, 1, 1], [], []>, transpose_lhs_hint = false} : vector<64x64xf32>, vector<64x2048xf32>, vector<64x2048xf32> -> vector<64x2048xf32>
    %mul3A_81 = arith.constant 9.900000e-01 : f32
    %mul3A_82 = vector.broadcast %mul3A_81 : f32 to vector<64x2048xf32>
    %mul3A_83 = arith.mulf %mul3A_82, %add3A_78 : vector<64x2048xf32>
    %mul3A_84 = arith.constant 0.00999999977 : f32
    %mul3A_85 = vector.broadcast %mul3A_84 : f32 to vector<64x2048xf32>
    %mul3A_86 = arith.mulf %mul3A_85, %dot_general3A_80 : vector<64x2048xf32>
    %sub3A_87 = arith.subf %mul3A_83, %mul3A_86 : vector<64x2048xf32>
    %get3A_88 = arith.constant 4 : index
    %get3A_89 = arith.constant 0 : index
    %get3A_90 = arith.constant 0 : index
    %get3A_91 = vector.load %arg3[%get3A_88, %get3A_89, %get3A_90] : memref<10x64x2048xf32, #tpu.memory_space<vmem>>, vector<1x64x2048xf32>
    %get3A_92 = vector.shape_cast %get3A_91 : vector<1x64x2048xf32> to vector<64x2048xf32>
    %mul3A_93 = arith.constant 0.141421363 : f32
    %mul3A_94 = vector.broadcast %mul3A_93 : f32 to vector<64x2048xf32>
    %mul3A_95 = arith.mulf %mul3A_94, %get3A_92 : vector<64x2048xf32>
    %add3A_96 = arith.addf %sub3A_87, %mul3A_95 : vector<64x2048xf32>
    %dot_general3A_97 = arith.constant dense<0.000000e+00> : vector<64x2048xf32>
    %dot_general3A_98 = tpu.matmul %dot_general3A_4, %add3A_96, %dot_general3A_97 {dimension_numbers = #tpu.dot_dimension_numbers<[1], [0], [0], [1], [0, 0, 1, 1], [], []>, transpose_lhs_hint = false} : vector<64x64xf32>, vector<64x2048xf32>, vector<64x2048xf32> -> vector<64x2048xf32>
    %mul3A_99 = arith.constant 9.900000e-01 : f32
    %mul3A_100 = vector.broadcast %mul3A_99 : f32 to vector<64x2048xf32>
    %mul3A_101 = arith.mulf %mul3A_100, %add3A_96 : vector<64x2048xf32>
    %mul3A_102 = arith.constant 0.00999999977 : f32
    %mul3A_103 = vector.broadcast %mul3A_102 : f32 to vector<64x2048xf32>
    %mul3A_104 = arith.mulf %mul3A_103, %dot_general3A_98 : vector<64x2048xf32>
    %sub3A_105 = arith.subf %mul3A_101, %mul3A_104 : vector<64x2048xf32>
    %get3A_106 = arith.constant 5 : index
    %get3A_107 = arith.constant 0 : index
    %get3A_108 = arith.constant 0 : index
    %get3A_109 = vector.load %arg3[%get3A_106, %get3A_107, %get3A_108] : memref<10x64x2048xf32, #tpu.memory_space<vmem>>, vector<1x64x2048xf32>
    %get3A_110 = vector.shape_cast %get3A_109 : vector<1x64x2048xf32> to vector<64x2048xf32>
    %mul3A_111 = arith.constant 0.141421363 : f32
    %mul3A_112 = vector.broadcast %mul3A_111 : f32 to vector<64x2048xf32>
    %mul3A_113 = arith.mulf %mul3A_112, %get3A_110 : vector<64x2048xf32>
    %add3A_114 = arith.addf %sub3A_105, %mul3A_113 : vector<64x2048xf32>
    %dot_general3A_115 = arith.constant dense<0.000000e+00> : vector<64x2048xf32>
    %dot_general3A_116 = tpu.matmul %dot_general3A_4, %add3A_114, %dot_general3A_115 {dimension_numbers = #tpu.dot_dimension_numbers<[1], [0], [0], [1], [0, 0, 1, 1], [], []>, transpose_lhs_hint = false} : vector<64x64xf32>, vector<64x2048xf32>, vector<64x2048xf32> -> vector<64x2048xf32>
    %mul3A_117 = arith.constant 9.900000e-01 : f32
    %mul3A_118 = vector.broadcast %mul3A_117 : f32 to vector<64x2048xf32>
    %mul3A_119 = arith.mulf %mul3A_118, %add3A_114 : vector<64x2048xf32>
    %mul3A_120 = arith.constant 0.00999999977 : f32
    %mul3A_121 = vector.broadcast %mul3A_120 : f32 to vector<64x2048xf32>
    %mul3A_122 = arith.mulf %mul3A_121, %dot_general3A_116 : vector<64x2048xf32>
    %sub3A_123 = arith.subf %mul3A_119, %mul3A_122 : vector<64x2048xf32>
    %get3A_124 = arith.constant 6 : index
    %get3A_125 = arith.constant 0 : index
    %get3A_126 = arith.constant 0 : index
    %get3A_127 = vector.load %arg3[%get3A_124, %get3A_125, %get3A_126] : memref<10x64x2048xf32, #tpu.memory_space<vmem>>, vector<1x64x2048xf32>
    %get3A_128 = vector.shape_cast %get3A_127 : vector<1x64x2048xf32> to vector<64x2048xf32>
    %mul3A_129 = arith.constant 0.141421363 : f32
    %mul3A_130 = vector.broadcast %mul3A_129 : f32 to vector<64x2048xf32>
    %mul3A_131 = arith.mulf %mul3A_130, %get3A_128 : vector<64x2048xf32>
    %add3A_132 = arith.addf %sub3A_123, %mul3A_131 : vector<64x2048xf32>
    %dot_general3A_133 = arith.constant dense<0.000000e+00> : vector<64x2048xf32>
    %dot_general3A_134 = tpu.matmul %dot_general3A_4, %add3A_132, %dot_general3A_133 {dimension_numbers = #tpu.dot_dimension_numbers<[1], [0], [0], [1], [0, 0, 1, 1], [], []>, transpose_lhs_hint = false} : vector<64x64xf32>, vector<64x2048xf32>, vector<64x2048xf32> -> vector<64x2048xf32>
    %mul3A_135 = arith.constant 9.900000e-01 : f32
    %mul3A_136 = vector.broadcast %mul3A_135 : f32 to vector<64x2048xf32>
    %mul3A_137 = arith.mulf %mul3A_136, %add3A_132 : vector<64x2048xf32>
    %mul3A_138 = arith.constant 0.00999999977 : f32
    %mul3A_139 = vector.broadcast %mul3A_138 : f32 to vector<64x2048xf32>
    %mul3A_140 = arith.mulf %mul3A_139, %dot_general3A_134 : vector<64x2048xf32>
    %sub3A_141 = arith.subf %mul3A_137, %mul3A_140 : vector<64x2048xf32>
    %get3A_142 = arith.constant 7 : index
    %get3A_143 = arith.constant 0 : index
    %get3A_144 = arith.constant 0 : index
    %get3A_145 = vector.load %arg3[%get3A_142, %get3A_143, %get3A_144] : memref<10x64x2048xf32, #tpu.memory_space<vmem>>, vector<1x64x2048xf32>
    %get3A_146 = vector.shape_cast %get3A_145 : vector<1x64x2048xf32> to vector<64x2048xf32>
    %mul3A_147 = arith.constant 0.141421363 : f32
    %mul3A_148 = vector.broadcast %mul3A_147 : f32 to vector<64x2048xf32>
    %mul3A_149 = arith.mulf %mul3A_148, %get3A_146 : vector<64x2048xf32>
    %add3A_150 = arith.addf %sub3A_141, %mul3A_149 : vector<64x2048xf32>
    %dot_general3A_151 = arith.constant dense<0.000000e+00> : vector<64x2048xf32>
    %dot_general3A_152 = tpu.matmul %dot_general3A_4, %add3A_150, %dot_general3A_151 {dimension_numbers = #tpu.dot_dimension_numbers<[1], [0], [0], [1], [0, 0, 1, 1], [], []>, transpose_lhs_hint = false} : vector<64x64xf32>, vector<64x2048xf32>, vector<64x2048xf32> -> vector<64x2048xf32>
    %mul3A_153 = arith.constant 9.900000e-01 : f32
    %mul3A_154 = vector.broadcast %mul3A_153 : f32 to vector<64x2048xf32>
    %mul3A_155 = arith.mulf %mul3A_154, %add3A_150 : vector<64x2048xf32>
    %mul3A_156 = arith.constant 0.00999999977 : f32
    %mul3A_157 = vector.broadcast %mul3A_156 : f32 to vector<64x2048xf32>
    %mul3A_158 = arith.mulf %mul3A_157, %dot_general3A_152 : vector<64x2048xf32>
    %sub3A_159 = arith.subf %mul3A_155, %mul3A_158 : vector<64x2048xf32>
    %get3A_160 = arith.constant 8 : index
    %get3A_161 = arith.constant 0 : index
    %get3A_162 = arith.constant 0 : index
    %get3A_163 = vector.load %arg3[%get3A_160, %get3A_161, %get3A_162] : memref<10x64x2048xf32, #tpu.memory_space<vmem>>, vector<1x64x2048xf32>
    %get3A_164 = vector.shape_cast %get3A_163 : vector<1x64x2048xf32> to vector<64x2048xf32>
    %mul3A_165 = arith.constant 0.141421363 : f32
    %mul3A_166 = vector.broadcast %mul3A_165 : f32 to vector<64x2048xf32>
    %mul3A_167 = arith.mulf %mul3A_166, %get3A_164 : vector<64x2048xf32>
    %add3A_168 = arith.addf %sub3A_159, %mul3A_167 : vector<64x2048xf32>
    %dot_general3A_169 = arith.constant dense<0.000000e+00> : vector<64x2048xf32>
    %dot_general3A_170 = tpu.matmul %dot_general3A_4, %add3A_168, %dot_general3A_169 {dimension_numbers = #tpu.dot_dimension_numbers<[1], [0], [0], [1], [0, 0, 1, 1], [], []>, transpose_lhs_hint = false} : vector<64x64xf32>, vector<64x2048xf32>, vector<64x2048xf32> -> vector<64x2048xf32>
    %mul3A_171 = arith.constant 9.900000e-01 : f32
    %mul3A_172 = vector.broadcast %mul3A_171 : f32 to vector<64x2048xf32>
    %mul3A_173 = arith.mulf %mul3A_172, %add3A_168 : vector<64x2048xf32>
    %mul3A_174 = arith.constant 0.00999999977 : f32
    %mul3A_175 = vector.broadcast %mul3A_174 : f32 to vector<64x2048xf32>
    %mul3A_176 = arith.mulf %mul3A_175, %dot_general3A_170 : vector<64x2048xf32>
    %sub3A_177 = arith.subf %mul3A_173, %mul3A_176 : vector<64x2048xf32>
    %get3A_178 = arith.constant 9 : index
    %get3A_179 = arith.constant 0 : index
    %get3A_180 = arith.constant 0 : index
    %get3A_181 = vector.load %arg3[%get3A_178, %get3A_179, %get3A_180] : memref<10x64x2048xf32, #tpu.memory_space<vmem>>, vector<1x64x2048xf32>
    %get3A_182 = vector.shape_cast %get3A_181 : vector<1x64x2048xf32> to vector<64x2048xf32>
    %mul3A_183 = arith.constant 0.141421363 : f32
    %mul3A_184 = vector.broadcast %mul3A_183 : f32 to vector<64x2048xf32>
    %mul3A_185 = arith.mulf %mul3A_184, %get3A_182 : vector<64x2048xf32>
    %add3A_186 = arith.addf %sub3A_177, %mul3A_185 : vector<64x2048xf32>
    %dot_general3A_187 = arith.constant dense<0.000000e+00> : vector<2048x64xf32>
    %dot_general3A_188 = tpu.matmul %add3A_186, %convert_element_type3A_1, %dot_general3A_187 {dimension_numbers = #tpu.dot_dimension_numbers<[0], [0], [1], [1], [0, 1, 1, 1], [], []>, precision = #tpu.contract_precision<fp32>, transpose_lhs_hint = false} : vector<64x2048xf32>, vector<64x64xf32>, vector<2048x64xf32> -> vector<2048x64xf32>
    %swap3A = arith.constant 0 : index
    %swap3A_189 = arith.constant 0 : index
    %swap3A_190 = vector.load %arg4[%swap3A, %swap3A_189] : memref<2048x64xf32, #tpu.memory_space<vmem>>, vector<2048x64xf32>
    tpu.vector_store %arg4[%swap3A, %swap3A_189], %dot_general3A_188 {strides = array<i32>} : memref<2048x64xf32, #tpu.memory_space<vmem>>, vector<2048x64xf32>,
    return
  }
  func.func @transform_0(%arg0: i32) -> (i32, i32) {
    %c0_i32 = arith.constant 0 : i32
    %c0_i32_0 = arith.constant 0 : i32
    return %arg0, %c0_i32 : i32, i32
  }
  func.func @transform_1(%arg0: i32) -> (i32, i32) {
    %c0_i32 = arith.constant 0 : i32
    %c0_i32_0 = arith.constant 0 : i32
    %c0_i32_1 = arith.constant 0 : i32
    return %c0_i32, %c0_i32_0 : i32, i32
  }
  func.func @transform_2(%arg0: i32) -> (i32, i32, i32) {
    %c0_i32 = arith.constant 0 : i32
    %c0_i32_0 = arith.constant 0 : i32
    %c0_i32_1 = arith.constant 0 : i32
    return %c0_i32, %c0_i32_0, %arg0 : i32, i32, i32
  }
  func.func @transform_3(%arg0: i32) -> (i32, i32) {
    %c0_i32 = arith.constant 0 : i32
    %c0_i32_0 = arith.constant 0 : i32
    return %arg0, %c0_i32 : i32, i32
  }
}

</mosaic_0001>

<sc_bundles>
// kernel: kernel.5.cloned.1.call-start
scs
__scs_entry_jumppad:
0x0: {  	(pc) =	sbr.rel $0x88, $3  }
0x1: {  	(tag) =	ssettag $0x0;
	lr =	simm.s32 $0x1  }
0x2: {  	[smem:$0x3F9D] =	sst lr;
	_ =	strace $0xD0000000  }
0x3: {  	_ = 	snop  }
0x4: {  	_ = 	snop  }
0x5: {  	_ = 	snop  }
0x6: {  	_ = 	snop  }
0x7: {  	_ = 	snop  }
__scs_overlays_trampoline_lowered:
0x8: {  	[smem:$0x3FAC] =	sst s0  }
0x9: {  	[smem:$0x3FAD] =	sst s1  }
0xa: {  	[smem:$0x3FAE] =	sst s2  }
0xb: {  	[smem:$0x3FAF] =	sst s3  }
0xc: {  	[smem:$0x3FB0] =	sst s4  }
0xd: {  	[smem:$0x3FB1] =	sst s5  }
0xe: {  	[smem:$0x3FB2] =	sst s6  }
0xf: {  	[smem:$0x3FB3] =	sst s7  }
0x10: {  	[smem:$0x3FB4] =	sst s8  }
0x11: {  	[smem:$0x3FB5] =	sst s9;
	s0 =	simm.s32 @!p0 $0x0  }
0x12: {  	s1 =	sld [smem:$0x3F9B];
	s0 =	simm.s32 @p0 $0x1  }
0x13: {  	[smem:$0x3FB6] =	sst s0;
	s0 =	simm.s32 @!p1 $0x0  }
0x14: {  	s2 =	sld [smem:$0x3F9A];
	s0 =	simm.s32 @p1 $0x1  }
0x15: {  	[smem:$0x3FB7] =	sst s0;
	s0 =	simm.s32 @!p2 $0x0  }
0x16: {  	s3 =	sld [smem:$0x3FDB];
	s0 =	simm.s32 @p2 $0x1  }
0x17: {  	s4 =	simm.s32 $0x1BF5;
	[smem:$0x3FB9] =	sst s0  }
0x18: {  	s0 =	sld [smem:$0x3F9C];
	_ =	swait.ge [sflag:s4], $0x0  }
0x19: {  	s7 =	sld [smem:$0x3F9D]  }
0x1a: {  	s8 =	sadd.s32 $0xFFFFE003, lr  }
0x1b: {  	s9 =	sadd.s32 $0xFFFFFEF7, lr;
	s5 =	simm.s32 $0xFFFFFFFF;
	p2 =	slt.u32 s8, $0xFFFFF086  }
0x1c: {  	p1 =	slt.u32 s9, $0xF7A;
	s5 =	simm.s32 @!p2 $0x0  }
0x1d: {  	s5 =	simm.s32 @p1 $0x1;
	p0 =	seq.s32 s7, s2  }
0x1e: {  	s7 =	smul.u32 @!p0 $0xF7A, s2;
	p2 =	seq.s32 @!p0 s5, $0x0  }
0x1f: {  	s9 =	smul.u32 $0xF7A, s1;
	s8 =	simm.s32 @!p0 $0x1BF5;
	p2 =	por !p2, p0  }
0x20: {  	[sflag:s8] =	ssyncset.s32 @!p0 $0xFFFFF086;
	s6 =	sadd.s32 @!p0 s3, s7;
	s7 =	simm.s32 @!p0 $0x108  }
0x21: {  	s3 =	sadd.s32 s3, s9;
	s6 =	sadd.s32 @!p0 $0x88, s6;
	s7 =	simm.s32 @p2 $0x1082  }
0x22: {  	[simem:s7], [sflag:s8] =	dma.local @!p0 [hbm:s6], $0xF7A  }
0x23: {  	s9 =	sor.u32 $0xD0000000, s2;
	s6 =	simm.s32 $0x108;
	_ =	swait.ge @!p0 [sflag:s8], $0x0  }
0x24: {  	s3 =	sadd.s32 $0x88, s3;
	s6 =	simm.s32 @!p1 $0x1082;
	[sflag:s4] =	ssyncset.s32 $0xFFFFF086  }
0x25: {  	[simem:s6], [sflag:s4] =	dma.local [hbm:s3], $0xF7A  }
0x26: {  	[smem:$0x3F9D] =	sst s1;
	(tag) =	ssettag s2;
	_ =	strace s9  }
0x27: {  	s1 =	sld [smem:$0x3FAD]  }
0x28: {  	s2 =	sld [smem:$0x3FAE]  }
0x29: {  	s4 =	sld [smem:$0x3FB0]  }
0x2a: {  	p0 =	seq.s32 s5, $0x0;
	s5 =	sld [smem:$0x3FB1]  }
0x2b: {  	s6 =	sld [smem:$0x3FB2]  }
0x2c: {  	s7 =	sld [smem:$0x3FB3]  }
0x2d: {  	s3 =	simm.s32 $0x108;
	s8 =	sld [smem:$0x3FB4]  }
0x2e: {  	s3 =	simm.s32 @!p0 $0x1082;
	s9 =	sld [smem:$0x3FB5]  }
0x2f: {  	lr =	sadd.s32 s0, s3;
	s0 =	sld [smem:$0x3FAC]  }
0x30: {  	s3 =	sld [smem:$0x3FAF]  }
0x31: {  	[smem:$0x3FB8] =	sst s10  }
0x32: {  	s10 =	sld [smem:$0x3FB6];
	_ =	sdelay $0x3  }
0x33: {  	p0 =	seq.s32 s10, $0x1;
	s10 =	sld [smem:$0x3FB8];
	_ =	sdelay $0x3  }
0x34: {  	[smem:$0x3FB8] =	sst s10  }
0x35: {  	s10 =	sld [smem:$0x3FB7];
	_ =	sdelay $0x3  }
0x36: {  	p1 =	seq.s32 s10, $0x1;
	s10 =	sld [smem:$0x3FB8];
	_ =	sdelay $0x3  }
0x37: {  	[smem:$0x3FB8] =	sst s10  }
0x38: {  	s10 =	sld [smem:$0x3FB9]  }
0x39: {  	_ = 	snop;
	(pc) =	sbr.ind lr, $3  }
0x3a: {  	_ = 	snop  }
0x3b: {  	_ = 	snop  }
0x3c: {  	p2 =	seq.s32 s10, $0x1;
	s10 =	sld [smem:$0x3FB8]  }
0x3d: {  	_ =	shalt  }
0x3e: {  	_ =	shalt  }
0x3f: {  	_ =	shalt  }
0x40: {  	_ =	shalt  }
0x41: {  	_ =	shalt  }
0x42: {  	_ =	shalt  }
0x43: {  	_ =	shalt  }
0x44: {  	_ =	shalt  }
0x45: {  	_ =	shalt  }
0x46: {  	_ =	shalt  }
0x47: {  	_ =	shalt  }
0x48: {  	_ =	shalt  }
0x49: {  	_ =	shalt  }
0x4a: {  	_ =	shalt  }
0x4b: {  	_ =	shalt  }
0x4c: {  	_ =	shalt  }
0x4d: {  	_ =	shalt  }
0x4e: {  	_ =	shalt  }
0x4f: {  	_ =	shalt  }
0x50: {  	_ =	shalt  }
0x51: {  	_ =	shalt  }
0x52: {  	_ =	shalt  }
0x53: {  	_ =	shalt  }
0x54: {  	_ =	shalt  }
0x55: {  	_ =	shalt  }
0x56: {  	_ =	shalt  }
0x57: {  	_ =	shalt  }
0x58: {  	_ =	shalt  }
0x59: {  	_ =	shalt  }
0x5a: {  	_ =	shalt  }
0x5b: {  	_ =	shalt  }
0x5c: {  	_ =	shalt  }
0x5d: {  	_ =	shalt  }
0x5e: {  	_ =	shalt  }
0x5f: {  	_ =	shalt  }
0x60: {  	_ =	shalt  }
0x61: {  	_ =	shalt  }
0x62: {  	_ =	shalt  }
0x63: {  	_ =	shalt  }
0x64: {  	_ =	shalt  }
0x65: {  	_ =	shalt  }
0x66: {  	_ =	shalt  }
0x67: {  	_ =	shalt  }
0x68: {  	_ =	shalt  }
0x69: {  	_ =	shalt  }
0x6a: {  	_ =	shalt  }
0x6b: {  	_ =	shalt  }
0x6c: {  	_ =	shalt  }
0x6d: {  	_ =	shalt  }
0x6e: {  	_ =	shalt  }
0x6f: {  	_ =	shalt  }
0x70: {  	_ =	shalt  }
0x71: {  	_ =	shalt  }
0x72: {  	_ =	shalt  }
0x73: {  	_ =	shalt  }
0x74: {  	_ =	shalt  }
0x75: {  	_ =	shalt  }
0x76: {  	_ =	shalt  }
0x77: {  	_ =	shalt  }
0x78: {  	_ =	shalt  }
0x79: {  	_ =	shalt  }
0x7a: {  	_ =	shalt  }
0x7b: {  	_ =	shalt  }
0x7c: {  	_ =	shalt  }
0x7d: {  	_ =	shalt  }
0x7e: {  	_ =	shalt  }
0x7f: {  	_ =	shalt  }
0x80: {  	_ =	shalt  }
0x81: {  	_ =	shalt  }
0x82: {  	_ =	shalt  }
0x83: {  	_ =	shalt  }
0x84: {  	_ =	shalt  }
0x85: {  	_ =	shalt  }
0x86: {  	_ =	shalt  }
0x87: {  	_ =	shalt  }
.Lfunc_end0:
.L_simem_size_0:
called_computation.1_lowered:
.L_overlay_start_0:
0x88: {  	s2 =	sld [smem:$0x3FD9]  }
0x89: {  	s3 =	sld [smem:$0x3FFE];
	_ =	sdelay $0x1  }
0x8a: {  	s1 =	srdreg.scid  }
0x8b: {  	s0 =	sand.u32 $0x1, s1  }
0x8c: {  	s17 =	sshll.u32 s0, $0xA;
	s2 =	sadd.s32 s3, s2  }
0x8d: {  	s2 =	sadd.s32 s2, s17  }
0x8e: {  	[smem:$0x3FC4] =	sst s2  }
0x8f: {  	_ = 	snop  }
0x90: {  	s2 =	sld [smem:$0x3FC8]  }
0x91: {  	s18 =	sld [smem:$0x3FD0];
	(tm) =	ssettm $0x1  }
0x92: {  	s4 =	sld [smem:$0x3FFB];
	_ =	sdelay $0x3  }
0x93: {  	_ =	strace s4  }
0x94: {  	s4 =	sld [smem:$0x3FFC];
	_ =	sdelay $0x3  }
0x95: {  	_ =	strace s4  }
0x96: {  	s4 =	sld [smem:$0x3FFD];
	_ =	sdelay $0x3  }
0x97: {  	_ =	strace s4  }
0x98: {  	_ =	strace $0x8FFFFFFF  }
0x99: {  	s19 =	sld [smem:$0x3FDB];
	_ =	sdelay $0x1  }
0x9a: {  	s5 =	simm.s32 $_scs_section_size  }
0x9b: {  	s6 =	simm.s32 $_size__tile_overlayer_lowered;
	s7 =	simm.s32 $_tile_overlayer_lowered  }
0x9c: {  	s22 =	simm.s32 $0x1BFF;
	s21 =	sshll.u32 s7, $0x1;
	s4 =	sadd.s32 s5, s19  }
0x9d: {  	s8 =	simm.s32 $0x0;
	s20 =	sshll.u32 s6, $0x1;
	s6 =	sadd.s32 s21, s4  }
0x9e: {  	[timem:s8], [sflag:s22] =	dma.local [hbm:s6], s20  }
0x9f: {  	_ =	swait.ge [sflag:s22], s20  }
0xa0: {  	s5 =	ssub.s32 $0x0, s20;
	[sflag:s22] =	ssyncset.done $0x0  }
0xa1: {  	[sflag:s22] =	ssyncadd.s32 s5;
	_ =	sdelay $0x1  }
0xa2: {  	s23 =	simm.s32 $0x1B8B  }
0xa3: {  	_ =	swait.ge [sflag:s23], $0x1  }
0xa4: {  	[sflag:s23] =	ssyncset.done $0x0  }
0xa5: {  	s25 =	simm.s32 $0x1B8E;
	s24 =	sld [smem:$0x3FFE];
	[sflag:s23] =	ssyncadd.s32 $0xFFFFFFFF  }
0xa6: {  	s26 =	simm.s32 $execute0_lowered;
	[smem:$0x3FD2] =	sst s25  }
0xa7: {  	s6 =	sshll.u32 s26, $0x1;
	_ =	strace $0x80000046;
	[dreg:$0x1] =	wrdreg $0xFFFFFFFF  }
0xa8: {  	s28 =	simm.s32 $_size_execute0_lowered;
	s4 =	sadd.s32 s4, s6;
	[dreg:$0x0] =	wrdreg $0x0  }
0xa9: {  	s6 =	sshll.u32 s28, $0x1;
	[dreg:$0x2] =	wrdreg s4  }
0xaa: {  	[dreg:$0x3] =	wrdreg s6  }
0xab: {  	[dreg:$0x4] =	wrdreg $0xC0  }
0xac: {  	_ =	task [dreg:s8], $0x5FFFF  }
0xad: {  	[dreg:$0x1] =	wrdreg $0xFFFFFFFF  }
0xae: {  	[dreg:$0x0] =	wrdreg $0x60  }
0xaf: {  	[dreg:$0x2] =	wrdreg s18  }
0xb0: {  	[dreg:$0x3] =	wrdreg s2  }
0xb1: {  	[dreg:$0x4] =	wrdreg s24  }
0xb2: {  	[dreg:$0x5] =	wrdreg $0x9  }
0xb3: {  	_ =	task.clear_ibuf [dreg:s8], $0x6FFFF;
	_ =	strace $0x90000046  }
0xb4: {  	s29 =	simm.s32 $0x9;
	_ =	strace $0x80000048  }
0xb5: {  	_ =	swait.ge [sflag:s29], $0x1  }
0xb6: {  	[sflag:s29] =	ssyncadd.s32 $0xFFFFFFFF  }
0xb7: {  	_ =	strace $0x90000048  }
0xb8: {  	_ =	sfence  }
0xb9: {  	s30 =	sld [smem:$0x0];
	_ =	sdelay $0x2  }
0xba: {  	s31 =	sshll.u32 s1, $0xD;
	s1 =	sshrl.u32 s1, $0x2  }
0xbb: {  	s3 =	sand.u32 $0x4000, s31;
	s1 =	sadd.s32 s1, s30  }
0xbc: {  	s0 =	sor.u32 s3, s0;
	s1 =	sshll.u32 s1, $0x11  }
0xbd: {  	s0 =	sor.u32 s1, s0  }
0xbe: {  	s0 =	sadd.s32 $0x8F2B, s0  }
0xbf: {  	[sflag:s0] =	ssyncadd.remote.s32 $0x1  }
0xc0: {  	_ =	sfence.sel $0xFFFF  }
0xc1: {  	[dreg:$0x0] =	wrdreg $0xFFFFFFFF;
	(pc) =	sbr.abs _section_cstart, $3  }
0xc2: {  	[dreg:$0x1] =	wrdreg $0xFFFFFFFF  }
0xc3: {  	_ =	task.clear_ibuf [dreg:s8], $0x2FFFF;
	_ =	strace $0x9FFFFFFF  }
0xc4: {  	(tm) =	ssettm $0x7FFFFFFF  }
0xc5: {  	_ =	shalt  }
tec
execute0_lowered:
.L_overlay_start_1:
0x0: {  	(tag) =	ssettag $0x1  }
0x1: {  	s2 =	rddreg [dreg:$0x0]  }
0x2: {  	s4 =	rddreg [dreg:$0x1]  }
0x3: {  	s1 =	srdreg.scid;
	s0 =	stileid.u32  }
0x4: {  	s14 =	rddreg [dreg:$0x2];
	s15 =	sand.u32 $0x1, s1;
	s5 =	sshll.u32 s0, $0x1  }
0x5: {  	s3 =	simm.s32 $0x0;
	s1 =	rddreg [dreg:$0x3];
	s16 =	sor.u32 s15, s5  }
0x6: {  	[smem:$0x7FF] =	sst s3;
	s5 =	sshll.u32 s16, $0x6  }
0x7: {  	_ =	strace $0x80000047;
	s5 =	sadd.s32 s4, s5;
	s4 =	simm.s32 $0x2  }
0x8: {  	[tilespmem:s3], [sflag:$0x2] =	stream.linear.gather [hbm4b:s5+s3], $0x200, $0x38;
	[tilespmem:$0x8200] =	vst v63  }
0x9: {  	_ =	swait.ge [sflag:s4], $0x200  }
0xa: {  	[sflag:s4] =	ssyncset.done $0x0  }
0xb: {  	s6 =	simm.s32 $0x80;
	s7 =	simm.s32 $0x200;
	[sflag:s4] =	ssyncadd.s32 $0xFFFFFE00  }
0xc: {  	[tilespmem:s7], [sflag:$0x1] =	stream.indirect.gather [hbm4b:s2+s6], $0x40, s3, s6, $0xb8;
	[tilespmem:$0x8200] =	vst v63  }
0xd: {  	s8 =	simm.s32 $0x2200  }
0xe: {  	[tilespmem:s8], [sflag:$0x1] =	stream.indirect.gather [hbm4b:s2+s6], $0x40, s6, s6, $0xb8;
	[tilespmem:$0x8200] =	vst v63  }
0xf: {  	s9 =	simm.s32 $0x100;
	s10 =	simm.s32 $0x4200  }
0x10: {  	[tilespmem:s10], [sflag:$0x1] =	stream.indirect.gather [hbm4b:s2+s6], $0x40, s9, s6, $0xb8;
	[tilespmem:$0x8200] =	vst v63  }
0x11: {  	s11 =	simm.s32 $0x180;
	s12 =	simm.s32 $0x6200;
	s13 =	simm.s32 $0x1  }
0x12: {  	[tilespmem:s12], [sflag:$0x1] =	stream.indirect.gather [hbm4b:s2+s6], $0x40, s11, s6, $0xb8;
	[tilespmem:$0x8200] =	vst v63  }
0x13: {  	_ =	swait.ge [sflag:s13], $0x2000  }
0x14: {  	[sflag:s13] =	ssyncset.done $0x0  }
0x15: {  	[sflag:s13] =	ssyncadd.s32 $0xFFFFE000  }
0x16: {  	_ =	swait.ge [sflag:s13], $0x2000  }
0x17: {  	[sflag:s13] =	ssyncset.done $0x0  }
0x18: {  	s15 =	ssub.s32 $0x2, s15;
	[sflag:s13] =	ssyncadd.s32 $0xFFFFE000  }
0x19: {  	s17 =	sshrl.u32 s15, $0x1;
	_ =	swait.ge [sflag:s13], $0x2000  }
0x1a: {  	s15 =	ssub.s32 s15, s17;
	[sflag:s13] =	ssyncset.done $0x0  }
0x1b: {  	s15 =	smax.u32 s15, $0x1;
	[sflag:s13] =	ssyncadd.s32 $0xFFFFE000  }
0x1c: {  	s16 =	sshll.u32 s16, $0xC;
	p0 =	sne.s32 s15, $0x1;
	_ =	swait.ge [sflag:s13], $0x2000  }
.Ltmp0:
0x1d: {  	s14 =	sadd.s32 s16, s14;
	[sflag:s13] =	ssyncset.done $0x0;
	(pc) =	sbr.rel @!p0 .LBB2_2-.Ltmp0, $4  }
0x1e: {  	s14 =	sadd.s32 $0x1200, s14;
	[sflag:s13] =	ssyncadd.s32 $0xFFFFE000  }
0x1f: {  	[hbm4b:s14+s3] =	stream.linear.scatter [tilespmem:s7], [sflag:$0x2], $0x8000, $0x38;
	[tilespmem:$0x8200] =	vst v63  }
0x20: {  	_ =	swait.ge [sflag:s4], $0x8000  }
0x21: {  	s15 =	sadd.s32 $0xFFFFFFFF, s15;
	[sflag:s4] =	ssyncset.done $0x0  }
.LBB2_1:
0x22: {  	p0 =	sne.s32 s15, $0x1;
	s15 =	sadd.s32 $0xFFFFFFFF, s15;
	[sflag:s4] =	ssyncadd.s32 $0xFFFF8000  }
0x23: {  	[tilespmem:s3], [sflag:$0x2] =	stream.linear.gather [hbm4b:s5+s3], $0x200, $0x38;
	[tilespmem:$0x8200] =	vst v63  }
0x24: {  	_ =	swait.ge [sflag:s4], $0x200  }
0x25: {  	[sflag:s4] =	ssyncset.done $0x0  }
0x26: {  	[sflag:s4] =	ssyncadd.s32 $0xFFFFFE00  }
0x27: {  	[tilespmem:s7], [sflag:$0x1] =	stream.indirect.gather [hbm4b:s2+s6], $0x40, s3, s6, $0xb8;
	[tilespmem:$0x8200] =	vst v63  }
0x28: {  	_ = 	snop  }
0x29: {  	[tilespmem:s8], [sflag:$0x1] =	stream.indirect.gather [hbm4b:s2+s6], $0x40, s6, s6, $0xb8;
	[tilespmem:$0x8200] =	vst v63  }
0x2a: {  	_ = 	snop  }
0x2b: {  	[tilespmem:s10], [sflag:$0x1] =	stream.indirect.gather [hbm4b:s2+s6], $0x40, s9, s6, $0xb8;
	[tilespmem:$0x8200] =	vst v63  }
0x2c: {  	_ = 	snop  }
0x2d: {  	[tilespmem:s12], [sflag:$0x1] =	stream.indirect.gather [hbm4b:s2+s6], $0x40, s11, s6, $0xb8;
	[tilespmem:$0x8200] =	vst v63  }
0x2e: {  	_ =	swait.ge [sflag:s13], $0x2000  }
0x2f: {  	[sflag:s13] =	ssyncset.done $0x0  }
0x30: {  	[sflag:s13] =	ssyncadd.s32 $0xFFFFE000  }
0x31: {  	_ =	swait.ge [sflag:s13], $0x2000  }
0x32: {  	[sflag:s13] =	ssyncset.done $0x0  }
0x33: {  	[sflag:s13] =	ssyncadd.s32 $0xFFFFE000  }
0x34: {  	_ =	swait.ge [sflag:s13], $0x2000  }
0x35: {  	[sflag:s13] =	ssyncset.done $0x0  }
0x36: {  	[sflag:s13] =	ssyncadd.s32 $0xFFFFE000  }
0x37: {  	_ =	swait.ge [sflag:s13], $0x2000  }
.Ltmp1:
0x38: {  	[sflag:s13] =	ssyncset.done $0x0;
	(pc) =	sbr.rel @p0 .LBB2_1-.Ltmp1, $4  }
0x39: {  	[sflag:s13] =	ssyncadd.s32 $0xFFFFE000  }
0x3a: {  	[hbm4b:s14+s3] =	stream.linear.scatter [tilespmem:s7], [sflag:$0x2], $0x8000, $0x38;
	[tilespmem:$0x8200] =	vst v63  }
0x3b: {  	_ =	swait.ge [sflag:s4], $0x8000  }
0x3c: {  	[sflag:s4] =	ssyncset.done $0x0  }
.LBB2_2:
0x3d: {  	[sflag:s4] =	ssyncadd.s32 $0xFFFF8000  }
0x3e: {  	_ =	sfence.sel $0x180000  }
0x3f: {  	[bflag:$0x0] =	sbarrier.arrive $0xFFFF  }
0x40: {  	p0 =	sne.s32 s0, $0x0;
	_ =	strace $0x90000047  }
0x41: {  	s0 =	sadd.s32 @!p0 $0x100000, s1;
	[bflag:$0x2] =	sbarrier.arrive $0xFFFF  }
0x42: {  	[sflag:s0] =	ssyncadd.tile.s32 @!p0 $0x1;
	_ =	shalt  }
.Lfunc_end2:
_tile_overlayer_lowered:
.L_overlay_start_2:
0x43: {  	(tag) =	ssettag $0x2  }
0x44: {  	s0 =	rddreg [dreg:$0x0];
	s2 =	stileid.u32  }
0x45: {  	s1 =	rddreg [dreg:$0x1];
	p0 =	sne.s32 s2, $0x0  }
0x46: {  	s3 =	rddreg [dreg:$0x2];
	[bflag:$0x3] =	sbarrier.arrive $0xFFFF;
	s2 =	simm.s32 @!p0 $0x1C02  }
0x47: {  	[timem:s3], [sflag:s2] =	dma.local @!p0 [hbm:s0], s1  }
0x48: {  	s0 =	simm.s32 @!p0 $0x2  }
0x49: {  	_ =	swait.ge @!p0 [sflag:s0], s1  }
0x4a: {  	s1 =	ssub.s32 @!p0 $0x0, s1;
	[sflag:s0] =	ssyncset.done @!p0 $0x0  }
0x4b: {  	[sflag:s0] =	ssyncadd.s32 @!p0 s1  }
0x4c: {  	[bflag:$0x3] =	sbarrier.arrive $0xFFFF  }
0x4d: {  	_ =	shalt  }

// kernel: kernel.8.cloned.1.call-start
scs
__scs_entry_jumppad:
0x0: {  	(pc) =	sbr.rel $0x88, $3  }
0x1: {  	(tag) =	ssettag $0x0;
	lr =	simm.s32 $0x1  }
0x2: {  	[smem:$0x3F9D] =	sst lr;
	_ =	strace $0xD0000000  }
0x3: {  	_ = 	snop  }
0x4: {  	_ = 	snop  }
0x5: {  	_ = 	snop  }
0x6: {  	_ = 	snop  }
0x7: {  	_ = 	snop  }
__scs_overlays_trampoline_lowered:
0x8: {  	[smem:$0x3FAC] =	sst s0  }
0x9: {  	[smem:$0x3FAD] =	sst s1  }
0xa: {  	[smem:$0x3FAE] =	sst s2  }
0xb: {  	[smem:$0x3FAF] =	sst s3  }
0xc: {  	[smem:$0x3FB0] =	sst s4  }
0xd: {  	[smem:$0x3FB1] =	sst s5  }
0xe: {  	[smem:$0x3FB2] =	sst s6  }
0xf: {  	[smem:$0x3FB3] =	sst s7  }
0x10: {  	[smem:$0x3FB4] =	sst s8  }
0x11: {  	[smem:$0x3FB5] =	sst s9;
	s0 =	simm.s32 @!p0 $0x0  }
0x12: {  	s1 =	sld [smem:$0x3F9B];
	s0 =	simm.s32 @p0 $0x1  }
0x13: {  	[smem:$0x3FB6] =	sst s0;
	s0 =	simm.s32 @!p1 $0x0  }
0x14: {  	s2 =	sld [smem:$0x3F9A];
	s0 =	simm.s32 @p1 $0x1  }
0x15: {  	[smem:$0x3FB7] =	sst s0;
	s0 =	simm.s32 @!p2 $0x0  }
0x16: {  	s3 =	sld [smem:$0x3FDB];
	s0 =	simm.s32 @p2 $0x1  }
0x17: {  	s4 =	simm.s32 $0x1BF5;
	[smem:$0x3FB9] =	sst s0  }
0x18: {  	s0 =	sld [smem:$0x3F9C];
	_ =	swait.ge [sflag:s4], $0x0  }
0x19: {  	s7 =	sld [smem:$0x3F9D]  }
0x1a: {  	s8 =	sadd.s32 $0xFFFFE003, lr  }
0x1b: {  	s9 =	sadd.s32 $0xFFFFFEF7, lr;
	s5 =	simm.s32 $0xFFFFFFFF;
	p2 =	slt.u32 s8, $0xFFFFF086  }
0x1c: {  	p1 =	slt.u32 s9, $0xF7A;
	s5 =	simm.s32 @!p2 $0x0  }
0x1d: {  	s5 =	simm.s32 @p1 $0x1;
	p0 =	seq.s32 s7, s2  }
0x1e: {  	s7 =	smul.u32 @!p0 $0xF7A, s2;
	p2 =	seq.s32 @!p0 s5, $0x0  }
0x1f: {  	s9 =	smul.u32 $0xF7A, s1;
	s8 =	simm.s32 @!p0 $0x1BF5;
	p2 =	por !p2, p0  }
0x20: {  	[sflag:s8] =	ssyncset.s32 @!p0 $0xFFFFF086;
	s6 =	sadd.s32 @!p0 s3, s7;
	s7 =	simm.s32 @!p0 $0x108  }
0x21: {  	s3 =	sadd.s32 s3, s9;
	s6 =	sadd.s32 @!p0 $0x88, s6;
	s7 =	simm.s32 @p2 $0x1082  }
0x22: {  	[simem:s7], [sflag:s8] =	dma.local @!p0 [hbm:s6], $0xF7A  }
0x23: {  	s9 =	sor.u32 $0xD0000000, s2;
	s6 =	simm.s32 $0x108;
	_ =	swait.ge @!p0 [sflag:s8], $0x0  }
0x24: {  	s3 =	sadd.s32 $0x88, s3;
	s6 =	simm.s32 @!p1 $0x1082;
	[sflag:s4] =	ssyncset.s32 $0xFFFFF086  }
0x25: {  	[simem:s6], [sflag:s4] =	dma.local [hbm:s3], $0xF7A  }
0x26: {  	[smem:$0x3F9D] =	sst s1;
	(tag) =	ssettag s2;
	_ =	strace s9  }
0x27: {  	s1 =	sld [smem:$0x3FAD]  }
0x28: {  	s2 =	sld [smem:$0x3FAE]  }
0x29: {  	s4 =	sld [smem:$0x3FB0]  }
0x2a: {  	p0 =	seq.s32 s5, $0x0;
	s5 =	sld [smem:$0x3FB1]  }
0x2b: {  	s6 =	sld [smem:$0x3FB2]  }
0x2c: {  	s7 =	sld [smem:$0x3FB3]  }
0x2d: {  	s3 =	simm.s32 $0x108;
	s8 =	sld [smem:$0x3FB4]  }
0x2e: {  	s3 =	simm.s32 @!p0 $0x1082;
	s9 =	sld [smem:$0x3FB5]  }
0x2f: {  	lr =	sadd.s32 s0, s3;
	s0 =	sld [smem:$0x3FAC]  }
0x30: {  	s3 =	sld [smem:$0x3FAF]  }
0x31: {  	[smem:$0x3FB8] =	sst s10  }
0x32: {  	s10 =	sld [smem:$0x3FB6];
	_ =	sdelay $0x3  }
0x33: {  	p0 =	seq.s32 s10, $0x1;
	s10 =	sld [smem:$0x3FB8];
	_ =	sdelay $0x3  }
0x34: {  	[smem:$0x3FB8] =	sst s10  }
0x35: {  	s10 =	sld [smem:$0x3FB7];
	_ =	sdelay $0x3  }
0x36: {  	p1 =	seq.s32 s10, $0x1;
	s10 =	sld [smem:$0x3FB8];
	_ =	sdelay $0x3  }
0x37: {  	[smem:$0x3FB8] =	sst s10  }
0x38: {  	s10 =	sld [smem:$0x3FB9]  }
0x39: {  	_ = 	snop;
	(pc) =	sbr.ind lr, $3  }
0x3a: {  	_ = 	snop  }
0x3b: {  	_ = 	snop  }
0x3c: {  	p2 =	seq.s32 s10, $0x1;
	s10 =	sld [smem:$0x3FB8]  }
0x3d: {  	_ =	shalt  }
0x3e: {  	_ =	shalt  }
0x3f: {  	_ =	shalt  }
0x40: {  	_ =	shalt  }
0x41: {  	_ =	shalt  }
0x42: {  	_ =	shalt  }
0x43: {  	_ =	shalt  }
0x44: {  	_ =	shalt  }
0x45: {  	_ =	shalt  }
0x46: {  	_ =	shalt  }
0x47: {  	_ =	shalt  }
0x48: {  	_ =	shalt  }
0x49: {  	_ =	shalt  }
0x4a: {  	_ =	shalt  }
0x4b: {  	_ =	shalt  }
0x4c: {  	_ =	shalt  }
0x4d: {  	_ =	shalt  }
0x4e: {  	_ =	shalt  }
0x4f: {  	_ =	shalt  }
0x50: {  	_ =	shalt  }
0x51: {  	_ =	shalt  }
0x52: {  	_ =	shalt  }
0x53: {  	_ =	shalt  }
0x54: {  	_ =	shalt  }
0x55: {  	_ =	shalt  }
0x56: {  	_ =	shalt  }
0x57: {  	_ =	shalt  }
0x58: {  	_ =	shalt  }
0x59: {  	_ =	shalt  }
0x5a: {  	_ =	shalt  }
0x5b: {  	_ =	shalt  }
0x5c: {  	_ =	shalt  }
0x5d: {  	_ =	shalt  }
0x5e: {  	_ =	shalt  }
0x5f: {  	_ =	shalt  }
0x60: {  	_ =	shalt  }
0x61: {  	_ =	shalt  }
0x62: {  	_ =	shalt  }
0x63: {  	_ =	shalt  }
0x64: {  	_ =	shalt  }
0x65: {  	_ =	shalt  }
0x66: {  	_ =	shalt  }
0x67: {  	_ =	shalt  }
0x68: {  	_ =	shalt  }
0x69: {  	_ =	shalt  }
0x6a: {  	_ =	shalt  }
0x6b: {  	_ =	shalt  }
0x6c: {  	_ =	shalt  }
0x6d: {  	_ =	shalt  }
0x6e: {  	_ =	shalt  }
0x6f: {  	_ =	shalt  }
0x70: {  	_ =	shalt  }
0x71: {  	_ =	shalt  }
0x72: {  	_ =	shalt  }
0x73: {  	_ =	shalt  }
0x74: {  	_ =	shalt  }
0x75: {  	_ =	shalt  }
0x76: {  	_ =	shalt  }
0x77: {  	_ =	shalt  }
0x78: {  	_ =	shalt  }
0x79: {  	_ =	shalt  }
0x7a: {  	_ =	shalt  }
0x7b: {  	_ =	shalt  }
0x7c: {  	_ =	shalt  }
0x7d: {  	_ =	shalt  }
0x7e: {  	_ =	shalt  }
0x7f: {  	_ =	shalt  }
0x80: {  	_ =	shalt  }
0x81: {  	_ =	shalt  }
0x82: {  	_ =	shalt  }
0x83: {  	_ =	shalt  }
0x84: {  	_ =	shalt  }
0x85: {  	_ =	shalt  }
0x86: {  	_ =	shalt  }
0x87: {  	_ =	shalt  }
.Lfunc_end0:
.L_simem_size_0:
called_computation.2_lowered:
.L_overlay_start_0:
0x88: {  	s2 =	sld [smem:$0x3FD9]  }
0x89: {  	s3 =	sld [smem:$0x3FFE];
	_ =	sdelay $0x1  }
0x8a: {  	s1 =	srdreg.scid  }
0x8b: {  	s0 =	sand.u32 $0x1, s1  }
0x8c: {  	s17 =	sshll.u32 s0, $0xA;
	s2 =	sadd.s32 s3, s2  }
0x8d: {  	s2 =	sadd.s32 s2, s17  }
0x8e: {  	[smem:$0x3FC4] =	sst s2  }
0x8f: {  	_ = 	snop  }
0x90: {  	s2 =	sld [smem:$0x3FC8]  }
0x91: {  	s18 =	sld [smem:$0x3FD0];
	(tm) =	ssettm $0x1  }
0x92: {  	s4 =	sld [smem:$0x3FFB];
	_ =	sdelay $0x3  }
0x93: {  	_ =	strace s4  }
0x94: {  	s4 =	sld [smem:$0x3FFC];
	_ =	sdelay $0x3  }
0x95: {  	_ =	strace s4  }
0x96: {  	s4 =	sld [smem:$0x3FFD];
	_ =	sdelay $0x3  }
0x97: {  	_ =	strace s4  }
0x98: {  	_ =	strace $0x8FFFFFFF  }
0x99: {  	s19 =	sld [smem:$0x3FDB];
	_ =	sdelay $0x1  }
0x9a: {  	s5 =	simm.s32 $_scs_section_size  }
0x9b: {  	s6 =	simm.s32 $_size__tile_overlayer_lowered;
	s7 =	simm.s32 $_tile_overlayer_lowered  }
0x9c: {  	s22 =	simm.s32 $0x1BFF;
	s21 =	sshll.u32 s7, $0x1;
	s4 =	sadd.s32 s5, s19  }
0x9d: {  	s8 =	simm.s32 $0x0;
	s20 =	sshll.u32 s6, $0x1;
	s6 =	sadd.s32 s21, s4  }
0x9e: {  	[timem:s8], [sflag:s22] =	dma.local [hbm:s6], s20  }
0x9f: {  	_ =	swait.ge [sflag:s22], s20  }
0xa0: {  	s5 =	ssub.s32 $0x0, s20;
	[sflag:s22] =	ssyncset.done $0x0  }
0xa1: {  	[sflag:s22] =	ssyncadd.s32 s5;
	_ =	sdelay $0x1  }
0xa2: {  	s23 =	simm.s32 $0x1B8B  }
0xa3: {  	_ =	swait.ge [sflag:s23], $0x1  }
0xa4: {  	[sflag:s23] =	ssyncset.done $0x0  }
0xa5: {  	s25 =	simm.s32 $0x1B8E;
	s24 =	sld [smem:$0x3FFE];
	[sflag:s23] =	ssyncadd.s32 $0xFFFFFFFF  }
0xa6: {  	s26 =	simm.s32 $execute0_lowered;
	[smem:$0x3FD2] =	sst s25  }
0xa7: {  	s6 =	sshll.u32 s26, $0x1;
	_ =	strace $0x80000049;
	[dreg:$0x1] =	wrdreg $0xFFFFFFFF  }
0xa8: {  	s28 =	simm.s32 $_size_execute0_lowered;
	s4 =	sadd.s32 s4, s6;
	[dreg:$0x0] =	wrdreg $0x0  }
0xa9: {  	s6 =	sshll.u32 s28, $0x1;
	[dreg:$0x2] =	wrdreg s4  }
0xaa: {  	[dreg:$0x3] =	wrdreg s6  }
0xab: {  	[dreg:$0x4] =	wrdreg $0xC0  }
0xac: {  	_ =	task [dreg:s8], $0x5FFFF  }
0xad: {  	[dreg:$0x1] =	wrdreg $0xFFFFFFFF  }
0xae: {  	[dreg:$0x0] =	wrdreg $0x60  }
0xaf: {  	[dreg:$0x2] =	wrdreg s18  }
0xb0: {  	[dreg:$0x3] =	wrdreg s24  }
0xb1: {  	[dreg:$0x4] =	wrdreg s2  }
0xb2: {  	[dreg:$0x5] =	wrdreg $0x9  }
0xb3: {  	_ =	task.clear_ibuf [dreg:s8], $0x6FFFF;
	_ =	strace $0x90000049  }
0xb4: {  	s29 =	simm.s32 $0x9;
	_ =	strace $0x8000004B  }
0xb5: {  	_ =	swait.ge [sflag:s29], $0x1  }
0xb6: {  	[sflag:s29] =	ssyncadd.s32 $0xFFFFFFFF  }
0xb7: {  	_ =	strace $0x9000004B  }
0xb8: {  	_ =	sfence  }
0xb9: {  	s30 =	sld [smem:$0x0];
	_ =	sdelay $0x2  }
0xba: {  	s31 =	sshll.u32 s1, $0xD;
	s1 =	sshrl.u32 s1, $0x2  }
0xbb: {  	s3 =	sand.u32 $0x4000, s31;
	s1 =	sadd.s32 s1, s30  }
0xbc: {  	s0 =	sor.u32 s3, s0;
	s1 =	sshll.u32 s1, $0x11  }
0xbd: {  	s0 =	sor.u32 s1, s0  }
0xbe: {  	s0 =	sadd.s32 $0x8F2B, s0  }
0xbf: {  	[sflag:s0] =	ssyncadd.remote.s32 $0x1  }
0xc0: {  	_ =	sfence.sel $0xFFFF  }
0xc1: {  	[dreg:$0x0] =	wrdreg $0xFFFFFFFF;
	(pc) =	sbr.abs _section_cstart, $3  }
0xc2: {  	[dreg:$0x1] =	wrdreg $0xFFFFFFFF  }
0xc3: {  	_ =	task.clear_ibuf [dreg:s8], $0x2FFFF;
	_ =	strace $0x9FFFFFFF  }
0xc4: {  	(tm) =	ssettm $0x7FFFFFFF  }
0xc5: {  	_ =	shalt  }
tec
execute0_lowered:
.L_overlay_start_1:
0x0: {  	(tag) =	ssettag $0x1  }
0x1: {  	s2 =	rddreg [dreg:$0x0]  }
0x2: {  	s6 =	rddreg [dreg:$0x1]  }
0x3: {  	s1 =	srdreg.scid;
	s0 =	stileid.u32  }
0x4: {  	s4 =	rddreg [dreg:$0x2];
	s15 =	sand.u32 $0x1, s1;
	s5 =	sshll.u32 s0, $0x1  }
0x5: {  	s3 =	simm.s32 $0x0;
	s1 =	rddreg [dreg:$0x3];
	s7 =	sor.u32 s15, s5  }
0x6: {  	[smem:$0x7FF] =	sst s3;
	s5 =	sshll.u32 s7, $0x6  }
0x7: {  	_ =	strace $0x8000004A;
	s4 =	sadd.s32 s4, s5;
	s5 =	simm.s32 $0x2  }
0x8: {  	[tilespmem:s3], [sflag:$0x2] =	stream.linear.gather [hbm4b:s4+s3], $0x200, $0x38;
	[tilespmem:$0x8200] =	vst v63  }
0x9: {  	s7 =	sshll.u32 s7, $0xC;
	_ =	swait.ge [sflag:s5], $0x200  }
0xa: {  	s6 =	sadd.s32 s7, s6;
	[sflag:s5] =	ssyncset.done $0x0  }
0xb: {  	s7 =	simm.s32 $0x200;
	s6 =	sadd.s32 $0x1200, s6;
	[sflag:s5] =	ssyncadd.s32 $0xFFFFFE00  }
0xc: {  	[tilespmem:s7], [sflag:$0x2] =	stream.linear.gather [hbm4b:s6+s3], $0x8000, $0x38;
	[tilespmem:$0x8200] =	vst v63  }
0xd: {  	_ =	swait.ge [sflag:s5], $0x8000  }
0xe: {  	[sflag:s5] =	ssyncset.done $0x0  }
0xf: {  	s8 =	simm.s32 $0x80;
	[sflag:s5] =	ssyncadd.s32 $0xFFFF8000  }
0x10: {  	[hbm4b:s2+s8] =	stream.indirect.scatter [tilespmem:s7], [sflag:$0x1], $0x40, s3, s8, $0xb8;
	[tilespmem:$0x8200] =	vst v63  }
0x11: {  	s9 =	simm.s32 $0x2200  }
0x12: {  	[hbm4b:s2+s8] =	stream.indirect.scatter [tilespmem:s9], [sflag:$0x1], $0x40, s8, s8, $0xb8;
	[tilespmem:$0x8200] =	vst v63  }
0x13: {  	s10 =	simm.s32 $0x100;
	s11 =	simm.s32 $0x4200  }
0x14: {  	[hbm4b:s2+s8] =	stream.indirect.scatter [tilespmem:s11], [sflag:$0x1], $0x40, s10, s8, $0xb8;
	[tilespmem:$0x8200] =	vst v63  }
0x15: {  	s12 =	simm.s32 $0x180;
	s14 =	simm.s32 $0x6200;
	s13 =	simm.s32 $0x1  }
0x16: {  	[hbm4b:s2+s8] =	stream.indirect.scatter [tilespmem:s14], [sflag:$0x1], $0x40, s12, s8, $0xb8;
	[tilespmem:$0x8200] =	vst v63  }
0x17: {  	_ =	swait.ge [sflag:s13], $0x2000  }
0x18: {  	s15 =	ssub.s32 $0x2, s15;
	[sflag:s13] =	ssyncset.done $0x0  }
0x19: {  	s16 =	sshrl.u32 s15, $0x1;
	[sflag:s13] =	ssyncadd.s32 $0xFFFFE000  }
0x1a: {  	s15 =	ssub.s32 s15, s16;
	_ =	swait.ge [sflag:s13], $0x2000  }
0x1b: {  	s15 =	smax.u32 s15, $0x1;
	[sflag:s13] =	ssyncset.done $0x0  }
0x1c: {  	p0 =	sne.s32 s15, $0x1;
	[sflag:s13] =	ssyncadd.s32 $0xFFFFE000  }
.Ltmp0:
0x1d: {  	_ =	swait.ge [sflag:s13], $0x2000;
	(pc) =	sbr.rel @!p0 .LBB2_2-.Ltmp0, $4  }
0x1e: {  	[sflag:s13] =	ssyncset.done $0x0  }
0x1f: {  	[sflag:s13] =	ssyncadd.s32 $0xFFFFE000  }
0x20: {  	_ =	swait.ge [sflag:s13], $0x2000  }
0x21: {  	s15 =	sadd.s32 $0xFFFFFFFF, s15;
	[sflag:s13] =	ssyncset.done $0x0  }
.LBB2_1:
0x22: {  	p0 =	sne.s32 s15, $0x1;
	s15 =	sadd.s32 $0xFFFFFFFF, s15;
	[sflag:s13] =	ssyncadd.s32 $0xFFFFE000  }
0x23: {  	[tilespmem:s3], [sflag:$0x2] =	stream.linear.gather [hbm4b:s4+s3], $0x200, $0x38;
	[tilespmem:$0x8200] =	vst v63  }
0x24: {  	_ =	swait.ge [sflag:s5], $0x200  }
0x25: {  	[sflag:s5] =	ssyncset.done $0x0  }
0x26: {  	[sflag:s5] =	ssyncadd.s32 $0xFFFFFE00  }
0x27: {  	[tilespmem:s7], [sflag:$0x2] =	stream.linear.gather [hbm4b:s6+s3], $0x8000, $0x38;
	[tilespmem:$0x8200] =	vst v63  }
0x28: {  	_ =	swait.ge [sflag:s5], $0x8000  }
0x29: {  	[sflag:s5] =	ssyncset.done $0x0  }
0x2a: {  	[sflag:s5] =	ssyncadd.s32 $0xFFFF8000  }
0x2b: {  	[hbm4b:s2+s8] =	stream.indirect.scatter [tilespmem:s7], [sflag:$0x1], $0x40, s3, s8, $0xb8;
	[tilespmem:$0x8200] =	vst v63  }
0x2c: {  	_ = 	snop  }
0x2d: {  	[hbm4b:s2+s8] =	stream.indirect.scatter [tilespmem:s9], [sflag:$0x1], $0x40, s8, s8, $0xb8;
	[tilespmem:$0x8200] =	vst v63  }
0x2e: {  	_ = 	snop  }
0x2f: {  	[hbm4b:s2+s8] =	stream.indirect.scatter [tilespmem:s11], [sflag:$0x1], $0x40, s10, s8, $0xb8;
	[tilespmem:$0x8200] =	vst v63  }
0x30: {  	_ = 	snop  }
0x31: {  	[hbm4b:s2+s8] =	stream.indirect.scatter [tilespmem:s14], [sflag:$0x1], $0x40, s12, s8, $0xb8;
	[tilespmem:$0x8200] =	vst v63  }
0x32: {  	_ =	swait.ge [sflag:s13], $0x2000  }
0x33: {  	[sflag:s13] =	ssyncset.done $0x0  }
0x34: {  	[sflag:s13] =	ssyncadd.s32 $0xFFFFE000  }
0x35: {  	_ =	swait.ge [sflag:s13], $0x2000  }
0x36: {  	[sflag:s13] =	ssyncset.done $0x0  }
0x37: {  	[sflag:s13] =	ssyncadd.s32 $0xFFFFE000  }
.Ltmp1:
0x38: {  	_ =	swait.ge [sflag:s13], $0x2000;
	(pc) =	sbr.rel @p0 .LBB2_1-.Ltmp1, $4  }
0x39: {  	[sflag:s13] =	ssyncset.done $0x0  }
0x3a: {  	[sflag:s13] =	ssyncadd.s32 $0xFFFFE000  }
0x3b: {  	_ =	swait.ge [sflag:s13], $0x2000  }
0x3c: {  	[sflag:s13] =	ssyncset.done $0x0  }
.LBB2_2:
0x3d: {  	[sflag:s13] =	ssyncadd.s32 $0xFFFFE000  }
0x3e: {  	_ =	sfence.sel $0x180000  }
0x3f: {  	[bflag:$0x0] =	sbarrier.arrive $0xFFFF  }
0x40: {  	p0 =	sne.s32 s0, $0x0;
	_ =	strace $0x9000004A  }
0x41: {  	s0 =	sadd.s32 @!p0 $0x100000, s1;
	[bflag:$0x2] =	sbarrier.arrive $0xFFFF  }
0x42: {  	[sflag:s0] =	ssyncadd.tile.s32 @!p0 $0x1;
	_ =	shalt  }
.Lfunc_end2:
_tile_overlayer_lowered:
.L_overlay_start_2:
0x43: {  	(tag) =	ssettag $0x2  }
0x44: {  	s0 =	rddreg [dreg:$0x0];
	s2 =	stileid.u32  }
0x45: {  	s1 =	rddreg [dreg:$0x1];
	p0 =	sne.s32 s2, $0x0  }
0x46: {  	s3 =	rddreg [dreg:$0x2];
	[bflag:$0x3] =	sbarrier.arrive $0xFFFF;
	s2 =	simm.s32 @!p0 $0x1C02  }
0x47: {  	[timem:s3], [sflag:s2] =	dma.local @!p0 [hbm:s0], s1  }
0x48: {  	s0 =	simm.s32 @!p0 $0x2  }
0x49: {  	_ =	swait.ge @!p0 [sflag:s0], s1  }
0x4a: {  	s1 =	ssub.s32 @!p0 $0x0, s1;
	[sflag:s0] =	ssyncset.done @!p0 $0x0  }
0x4b: {  	[sflag:s0] =	ssyncadd.s32 @!p0 s1  }
0x4c: {  	[bflag:$0x3] =	sbarrier.arrive $0xFFFF  }
0x4d: {  	_ =	shalt  }

// kernel: sparse-core-data-format-call.cloned.1.call-start
scs
called_computation_lowered:
.L_overlay_start_0:
0x0: {  	s2 =	sld [smem:$0x3FD9]  }
0x1: {  	s3 =	sld [smem:$0x3FFE];
	_ =	sdelay $0x1  }
0x2: {  	s1 =	srdreg.scid  }
0x3: {  	s0 =	sand.u32 $0x1, s1  }
0x4: {  	s18 =	sshll.u32 s0, $0xA;
	s2 =	sadd.s32 s3, s2  }
0x5: {  	s2 =	sadd.s32 s2, s18  }
0x6: {  	[smem:$0x3FC4] =	sst s2  }
0x7: {  	_ = 	snop  }
0x8: {  	s2 =	sld [smem:$0x3FD0];
	(tm) =	ssettm $0x1  }
0x9: {  	s19 =	sld [smem:$0x3FFB];
	_ =	sdelay $0x3  }
0xa: {  	_ =	strace s19  }
0xb: {  	s3 =	sld [smem:$0x3FFC];
	_ =	sdelay $0x3  }
0xc: {  	_ =	strace s3  }
0xd: {  	s3 =	sld [smem:$0x3FFD];
	_ =	sdelay $0x3  }
0xe: {  	_ =	strace s3  }
0xf: {  	_ =	strace $0x8FFFFFFF  }
0x10: {  	s20 =	sld [smem:$0x3FDB];
	_ =	sdelay $0x1  }
0x11: {  	s4 =	simm.s32 $_scs_section_size  }
0x12: {  	s5 =	simm.s32 $_size__tile_overlayer_lowered;
	s6 =	simm.s32 $_tile_overlayer_lowered  }
0x13: {  	s23 =	simm.s32 $0x1BFF;
	s22 =	sshll.u32 s6, $0x1;
	s3 =	sadd.s32 s4, s20  }
0x14: {  	s7 =	simm.s32 $0x0;
	s21 =	sshll.u32 s5, $0x1;
	s5 =	sadd.s32 s22, s3  }
0x15: {  	[timem:s7], [sflag:s23] =	dma.local [hbm:s5], s21  }
0x16: {  	_ =	swait.ge [sflag:s23], s21  }
0x17: {  	s4 =	ssub.s32 $0x0, s21;
	[sflag:s23] =	ssyncset.done $0x0  }
0x18: {  	[sflag:s23] =	ssyncadd.s32 s4;
	_ =	sdelay $0x1  }
0x19: {  	s24 =	simm.s32 $0x1B8B  }
0x1a: {  	_ =	swait.ge [sflag:s24], $0x1  }
0x1b: {  	[sflag:s24] =	ssyncset.done $0x0  }
0x1c: {  	s26 =	simm.s32 $0x1B8E;
	s25 =	sld [smem:$0x3FFE];
	[sflag:s24] =	ssyncadd.s32 $0xFFFFFFFF  }
0x1d: {  	s27 =	simm.s32 $execute0_lowered;
	[smem:$0x3FD2] =	sst s26  }
0x1e: {  	s5 =	sshll.u32 s27, $0x1;
	_ =	strace $0x8000004C;
	[dreg:$0x1] =	wrdreg $0xFFFFFFFF  }
0x1f: {  	s28 =	simm.s32 $_size_execute0_lowered;
	s3 =	sadd.s32 s3, s5;
	[dreg:$0x0] =	wrdreg $0x0  }
0x20: {  	s5 =	sshll.u32 s28, $0x1;
	[dreg:$0x2] =	wrdreg s3  }
0x21: {  	[dreg:$0x3] =	wrdreg s5  }
0x22: {  	[dreg:$0x4] =	wrdreg $0xC0  }
0x23: {  	_ =	task [dreg:s7], $0x5FFFF  }
0x24: {  	[dreg:$0x1] =	wrdreg $0xFFFFFFFF  }
0x25: {  	[dreg:$0x0] =	wrdreg $0x60  }
0x26: {  	[dreg:$0x2] =	wrdreg s25  }
0x27: {  	[dreg:$0x3] =	wrdreg s2  }
0x28: {  	[dreg:$0x4] =	wrdreg $0x9  }
0x29: {  	_ =	task.clear_ibuf [dreg:s7], $0x5FFFF;
	_ =	strace $0x9000004C  }
0x2a: {  	s29 =	simm.s32 $0x9;
	_ =	strace $0x8000004E  }
0x2b: {  	_ =	swait.ge [sflag:s29], $0x1  }
0x2c: {  	[sflag:s29] =	ssyncadd.s32 $0xFFFFFFFF  }
0x2d: {  	_ =	strace $0x9000004E  }
0x2e: {  	_ =	sfence  }
0x2f: {  	s30 =	sld [smem:$0x0];
	_ =	sdelay $0x2  }
0x30: {  	s31 =	sshll.u32 s1, $0xD;
	s1 =	sshrl.u32 s1, $0x2  }
0x31: {  	s3 =	sand.u32 $0x4000, s31;
	s1 =	sadd.s32 s1, s30  }
0x32: {  	s0 =	sor.u32 s3, s0;
	s1 =	sshll.u32 s1, $0x11  }
0x33: {  	s0 =	sor.u32 s1, s0  }
0x34: {  	s0 =	sadd.s32 $0x8F2B, s0  }
0x35: {  	[sflag:s0] =	ssyncadd.remote.s32 $0x1  }
0x36: {  	_ =	sfence.sel $0xFFFF  }
0x37: {  	[dreg:$0x0] =	wrdreg $0xFFFFFFFF;
	(pc) =	sbr.abs _section_cstart, $3  }
0x38: {  	[dreg:$0x1] =	wrdreg $0xFFFFFFFF  }
0x39: {  	_ =	task.clear_ibuf [dreg:s7], $0x2FFFF;
	_ =	strace $0x9FFFFFFF  }
0x3a: {  	(tm) =	ssettm $0x7FFFFFFF  }
0x3b: {  	_ =	shalt  }
tec
execute0_lowered:
.L_overlay_start_1:
0x0: {  	(tag) =	ssettag $0x1  }
0x1: {  	s4 =	rddreg [dreg:$0x0]  }
0x2: {  	s0 =	srdreg.scid;
	s2 =	rddreg [dreg:$0x1]  }
0x3: {  	s1 =	stileid.u32;
	s5 =	simm.s32 $0x1;
	s0 =	sshll.u32 s0, $0x4  }
0x4: {  	s7 =	simm.s32 $0x2;
	s11 =	simm.s32 $0x0;
	s3 =	sand.u32 $0x10, s0  }
.Ltmp0:
0x5: {  	p0 =	por $0x0, $0x0;
	s3 =	sor.u32 s1, s3;
	(pc) =	sbr.rel .LBB1_1-.Ltmp0, $4  }
0x6: {  	s8 =	simm.s32 $0x7A1400;
	s10 =	simm.s32 $0x0;
	s3 =	sshll.u32 s3, $0x7  }
0x7: {  	s0 =	rddreg [dreg:$0x2];
	_ =	strace $0x8000004D;
	s6 =	ssub.s32 $0xF4200, s3  }
0x8: {  	s4 =	sadd.s32 $0x1200, s4;
	[sflag:s5] =	ssyncpa.u1 $0x0;
	s6 =	sshrl.u32 s6, $0xC  }
0x9: {  	[sflag:s7] =	ssyncpa.u1 $0x0;
	s9 =	smov.u32 s3;
	s7 =	sadd.s32 $0x2, s6  }
.LBB1_5:
0xa: {  	s13 =	sadd.s32 $0x1000, s9  }
0xb: {  	p2 =	sgt.s32 s13, $0xF423F  }
0xc: {  	s13 =	smov.u32 @p2 s3;
	p2 =	sne.s32 s10, s7  }
.Ltmp1:
0xd: {  	p1 =	slt.u32 s10, $0x2;
	(pc) =	sbr.rel @!p2 .LBB1_6-.Ltmp1, $4  }
0xe: {  	s12 =	simm.s32 @!p1 $0x2  }
0xf: {  	s14 =	sadd.s32 $0x1, s10;
	_ =	swait.ge @!p1 [sflag:s12], $0x2000  }
0x10: {  	s11 =	smov.u32 s9;
	p0 =	por !p0, !p0;
	[sflag:s12] =	ssyncset.done @!p1 $0x0  }
0x11: {  	s10 =	smov.u32 s14;
	s9 =	smov.u32 s13;
	[sflag:s12] =	ssyncadd.s32 @!p1 $0xFFFFE000  }
.LBB1_1:
0x12: {  	p1 =	sgt.u32 s10, s6  }
0x13: {  	s13 =	smov.u32 s9;
	p2 =	sgt.s32 @!p1 s9, $0xF41C0  }
0x14: {  	s12 =	sand.u32 @!p1 $0x1FFFFFF, s9;
	s14 =	sshra.s32 @!p1 s9, $0x1F;
	p2 =	por !p2, p1  }
0x15: {  	s15 =	smulhi.u32 @!p1 $0x218DEF5, s12;
	s14 =	sand.u32 @!p1 s14, s9;
	s13 =	simm.s32 @p2 $0xF41C0  }
0x16: {  	s13 =	ssub.s32 @!p1 s13, s14  }
0x17: {  	s14 =	sshrl.u32 @!p1 s15, $0xD;
	s13 =	sadd.s32 @!p1 $0xFFF0BE40, s13  }
0x18: {  	s15 =	sxor.u32 @!p1 $0xFFFFFFFF, s10;
	s14 =	smul.u32 @!p1 $0xF4240, s14;
	s16 =	sshll.u32 @!p1 s13, $0x8  }
0x19: {  	s15 =	sshll.u32 @!p1 s15, $0xD;
	p2 =	sgt.s32 @!p1 s13, $0x7F;
	s13 =	ssub.s32 @!p1 $0x8000, s16  }
0x1a: {  	s12 =	ssub.s32 @!p1 s12, s14;
	p2 =	por !p2, p1;
	s14 =	sand.u32 @!p1 $0x2000, s15  }
0x1b: {  	s15 =	simm.s32 @!p1 $0x40;
	s13 =	sshrl.u32 @!p1 s13, $0x2;
	s12 =	sshll.u32 @!p1 s12, $0x4  }
0x1c: {  	s16 =	simm.s32 @!p1 $0x80;
	s13 =	simm.s32 @!p2 $0x0;
	s12 =	sadd.s32 @!p1 s4, s12  }
0x1d: {  	[tilespmem:s14], [sflag:$0x1] =	stream.strided.gather @!p1 [hbm4b:s12+s15], s13, s16, s15, $0x38;
	[tilespmem:$0x8080] =	vst v63  }
0x1e: {  	p1 =	seq.s32 s10, $0x0  }
0x1f: {  	p2 =	sge.u32 @!p1 s10, s7  }
0x20: {  	p1 =	por p1, p2  }
.Ltmp2:
0x21: {  	_ = 	snop;
	(pc) =	sbr.rel @p1 .LBB1_5-.Ltmp2, $1  }
0x22: {  	_ =	sdelay $0x3  }
0x23: {  	p1 =	sgt.s32 s11, $0xF41C0;
	s12 =	smov.u32 s11;
	s13 =	sshra.s32 s11, $0x1F  }
0x24: {  	s12 =	simm.s32 @!p1 $0xF41C0;
	s13 =	sand.u32 s13, s11  }
0x25: {  	s12 =	ssub.s32 s12, s13  }
0x26: {  	s12 =	sadd.s32 $0xFFF0BE40, s12  }
0x27: {  	s28 =	sshll.u32 s12, $0x8  }
0x28: {  	s13 =	ssub.s32 $0x8000, s28  }
0x29: {  	p1 =	sgt.s32 s12, $0x7F;
	s12 =	sshrl.u32 s13, $0x2  }
0x2a: {  	s13 =	simm.s32 $0x1;
	s12 =	simm.s32 @p1 $0x0  }
0x2b: {  	s13 =	simm.s32 @!p0 $0x0;
	_ =	swait.ge [sflag:s5], s12  }
0x2c: {  	s14 =	sshll.u32 s13, $0xD;
	s12 =	ssub.s32 $0x0, s12;
	[sflag:s5] =	ssyncset.done $0x0  }
0x2d: {  	s16 =	sor.u32 $0x20, s14;
	[sflag:s5] =	ssyncadd.s32 s12  }
0x2e: {  	s29 =	smul.u32 $0x8100, s13;
	v3 =	vld [tilespmem:s16+$0x10]  }
0x2f: {  	s30 =	sand.u32 $0x1, s10;
	v2 =	vld [tilespmem:s16+$0xFFFFFFF0]  }
0x30: {  	s13 =	smul.u32 $0x8100, s30;
	s12 =	sshrl.u32 s29, $0x2;
	v0 =	vld [tilespmem:s16+$0x0]  }
0x31: {  	s14 =	sor.u32 $0x4000, s12;
	v1 =	vld [tilespmem:s16+$0xFFFFFFE0]  }
0x32: {  	s31 =	sshrl.u32 s13, $0x2;
	s13 =	sadd.s32 $0x0, s14  }
0x33: {  	s15 =	simm.s32 $0x4;
	s12 =	sor.u32 $0x4000, s31;
	s16 =	sadd.s32 $0x40, s16;
	[tilespmem:s13+$0x1830 ss:$0x81] =	vst.msk $0xffff, v3  }
.LBB1_3:
0x34: {  	v3 =	vld [tilespmem:s16+$0x10];
	p1 =	sne.s32 s15, $0x1FC;
	[tilespmem:s13+$0x810 ss:$0x81] =	vst.msk $0xffff, v2;
	s17 =	smov.u32 s15;
	s15 =	sadd.s32 $0x4, s15  }
.Ltmp3:
0x35: {  	v2 =	vld [tilespmem:s16+$0xFFFFFFF0];
	[tilespmem:s13+$0x1020 ss:$0x81] =	vst.msk $0xffff, v0;
	(pc) =	sbr.rel @p1 .LBB1_3-.Ltmp3, $4  }
0x36: {  	v0 =	vld [tilespmem:s16+$0x0];
	[tilespmem:s13+$0x0 ss:$0x81] =	vst.msk $0xffff, v1  }
0x37: {  	s13 =	sshra.s32 s17, $0x2;
	v1 =	vld [tilespmem:s16+$0xFFFFFFE0]  }
0x38: {  	s13 =	sadd.s32 s13, s14  }
0x39: {  	s16 =	sadd.s32 $0x40, s16;
	[tilespmem:s13+$0x1830 ss:$0x81] =	vst.msk $0xffff, v3  }
0x3a: {  	s14 =	sshll.u32 s11, $0x3  }
0x3b: {  	s30 =	sand.u32 $0x7F, s11;
	s14 =	sand.u32 $0xFFFFFC00, s14  }
0x3c: {  	s11 =	sor.u32 s30, s14  }
0x3d: {  	s15 =	smulhi.u32 $0x218D6287, s11;
	_ =	sdelay $0x1  }
0x3e: {  	s14 =	smulhi.u32 $0x218D6287, s14;
	s15 =	sshrl.u32 s15, $0x11  }
0x3f: {  	s15 =	smul.u32 $0xF4280, s15  }
0x40: {  	s14 =	sshrl.u32 s14, $0x11  }
.Ltmp4:
0x41: {  	s14 =	sand.u32 $0x3F, s14;
	s11 =	ssub.s32 s11, s15;
	(pc) =	sbr.rel .LBB1_5-.Ltmp4, $4  }
0x42: {  	[tilespmem:s13+$0x810 ss:$0x81] =	vst.msk $0xffff, v2;
	s14 =	smul.u32 $0x1E850, s14;
	s15 =	sshrl.u32 s11, $0x3;
	s11 =	sand.u32 $0x7, s11  }
0x43: {  	[tilespmem:s13+$0x1020 ss:$0x81] =	vst.msk $0xffff, v0;
	s15 =	sadd.s32 s2, s15;
	s11 =	sshll.u32 s11, $0x12  }
0x44: {  	[tilespmem:s13+$0x0 ss:$0x81] =	vst.msk $0xffff, v1;
	s31 =	sadd.s32 s14, s15;
	s11 =	sor.u32 $0x400, s11  }
0x45: {  	[hbm4b:s31+s11] =	stream.strided.scatter [tilespmem:s12], [sflag:$0x2], $0x2000, s8, s11, $0x20;
	[tilespmem:$0x8080] =	vst v63  }
.LBB1_6:
0x46: {  	_ =	sfence.sel $0x180000  }
0x47: {  	s2 =	simm.s32 $0x1;
	[bflag:$0x0] =	sbarrier.arrive $0xFFFF  }
0x48: {  	s31 =	simm.s32 $0x2;
	[sflag:s2] =	ssyncpa.u1 $0x1  }
0x49: {  	[sflag:s31] =	ssyncpa.u1 $0x1  }
0x4a: {  	p0 =	sne.s32 s1, $0x0;
	_ =	strace $0x9000004D  }
0x4b: {  	s0 =	sadd.s32 @!p0 $0x100000, s0;
	[bflag:$0x2] =	sbarrier.arrive $0xFFFF  }
0x4c: {  	[sflag:s0] =	ssyncadd.tile.s32 @!p0 $0x1;
	_ =	shalt  }
.Lfunc_end1:
_tile_overlayer_lowered:
.L_overlay_start_2:
0x4d: {  	(tag) =	ssettag $0x2  }
0x4e: {  	s0 =	rddreg [dreg:$0x0];
	s2 =	stileid.u32  }
0x4f: {  	s1 =	rddreg [dreg:$0x1];
	p0 =	sne.s32 s2, $0x0  }
0x50: {  	s3 =	rddreg [dreg:$0x2];
	[bflag:$0x3] =	sbarrier.arrive $0xFFFF;
	s2 =	simm.s32 @!p0 $0x1C01  }
0x51: {  	[timem:s3], [sflag:s2] =	dma.local @!p0 [hbm:s0], s1  }
0x52: {  	s0 =	simm.s32 @!p0 $0x1  }
0x53: {  	_ =	swait.ge @!p0 [sflag:s0], s1  }
0x54: {  	s1 =	ssub.s32 @!p0 $0x0, s1;
	[sflag:s0] =	ssyncset.done @!p0 $0x0  }
0x55: {  	[sflag:s0] =	ssyncadd.s32 @!p0 s1  }
0x56: {  	[bflag:$0x3] =	sbarrier.arrive $0xFFFF  }
0x57: {  	_ =	shalt  }

</sc_bundles>
